<compile_context>
chip_gen: v7x
topology: tpu7x:2x2x1
jax: 0.10.2.dev20260603
libtpu: 0.0.44.dev20260713+nightly
codegen_flags: <defaults>
</compile_context>

<pallas_src>
import jax
import jax.numpy as jnp
from jax.experimental import pallas as pl

_BS, _T, _V, _F = 16, 32, 10, 2048
_N = _BS * _T
_VV = _V * _V
_LUT = 16
_G = 32


def _mm(a, b):
    return jax.lax.dot_general(a, b, (((1,), (0,)), ((), ())),
                               precision=jax.lax.Precision.HIGHEST,
                               preferred_element_type=jnp.float32)


def _iota2f(shape, dim):
    return jax.lax.broadcasted_iota(jnp.int32, shape, dim).astype(jnp.float32)


def _small_kernel(s_ref, mul_ref, bias_ref, means_ref, stds_ref,
                  emb3_ref, emb4_ref, ab_ref, d_ref):
    af = _iota2f((_VV, _VV), 0)
    bf = _iota2f((_VV, _VV), 1)
    bi = jnp.floor(bf * 0.1)
    bj = bf - 10.0 * bi
    ai = jnp.floor(af * 0.1)
    aj = af - 10.0 * ai

    rsel = _iota2f((_V, _VV), 0)
    cselj = _iota2f((_V, _VV), 1)
    cj = cselj - 10.0 * jnp.floor(cselj * 0.1)
    ciV = jnp.floor(cselj * 0.1)
    s = jnp.zeros((_N, _VV), jnp.float32)
    bias_f = jnp.zeros((1, _VV), jnp.float32)
    for i in range(_V):
        esel = ((rsel == cj) * (ciV == float(i))).astype(jnp.float32)
        s = s + _mm(s_ref[:, i, :], esel)
        bias_f = bias_f + _mm(bias_ref[i:i + 1, :], esel)

    rep = (rsel == cj).astype(jnp.float32)
    means_f = _mm(means_ref[...], rep)
    stds_f = _mm(stds_ref[...], rep)
    e3f = _mm(emb3_ref[0:2, :], rep)
    e4f = _mm(emb4_ref[...], rep)

    ra = _iota2f((_VV, _V), 0)
    rc = _iota2f((_VV, _V), 1)
    raj = ra - 10.0 * jnp.floor(ra * 0.1)
    rai = jnp.floor(ra * 0.1)
    rept = (rc == raj).astype(jnp.float32)

    q = _mm(rept, mul_ref[...])
    mul_t = _mm(q, rep)
    mker = jnp.where(ai == bi, mul_t, 0.0)

    perm = (af == bj * 10.0 + bi).astype(jnp.float32)
    smin = jnp.minimum(s, _mm(s, perm))

    ha = _iota2f((_VV, _LUT), 0)
    hv = _iota2f((_VV, _LUT), 1)
    hsel = ((ha - 10.0 * jnp.floor(ha * 0.1)) == hv).astype(jnp.float32)
    d_ref[...] = _mm(smin, hsel)

    h = _mm(smin, mker) + bias_f
    a = (2.0 * 3.14159) ** 0.5
    tmp = jnp.exp(-0.5 * ((h - means_f) / stds_f) ** 2) / (a * stds_f)
    ef = jnp.tanh(jax.nn.sigmoid(tmp))

    dist = smin
    sp = jnp.zeros((_N, _VV), jnp.float32)
    for k in range(_V):
        ck = ((af == bi * 10.0 + k).astype(jnp.float32)
              + (af == k * 10.0 + bj).astype(jnp.float32))
        temp = _mm(dist, ck)
        new = jnp.minimum(dist, temp)
        x = jnp.where(jnp.equal(new, dist), 0.0, 1.0)
        sp = sp + x * ef
        dist = new

    gsum = (ai == bi).astype(jnp.float32)

    cnt = _mm(dist, gsum)
    sp_enc = (_V - cnt) * e3f[0:1, :] + cnt * e3f[1:2, :]

    eidx = jnp.floor(sp)
    ed_enc = jnp.zeros((_N, _VV), jnp.float32)
    for dd in range(10):
        w = _mm((eidx == float(dd)).astype(jnp.float32), gsum)
        ed_enc = ed_enc + w * e4f[dd:dd + 1, :]

    ab = sp_enc + ed_enc

    for i in range(_V):
        esel_t = ((rc == raj) * (rai == float(i))).astype(jnp.float32)
        ab_ref[:, i, :] = _mm(ab, esel_t)


def _stream_kernel(x_ref, d_ref, ein_ref, eout_ref, o_ref):
    lut = ein_ref[...] + eout_ref[...]
    dv = d_ref[...].astype(jnp.int32)
    ids = jax.lax.broadcasted_iota(jnp.int32, (1, _LUT), 1)
    for v in range(_V):
        oh = (dv[:, v:v + 1] == ids).astype(jnp.float32)
        rows = _mm(oh, lut)
        o_ref[:, v, :] = x_ref[:, v, :] + rows


def kernel(end_output, S, emb_in, emb_out, emb3, emb4, mul, bias, means, stds):
    s3 = S.reshape(_N, _V, _V)

    ab3, d2 = pl.pallas_call(
        _small_kernel,
        out_shape=(jax.ShapeDtypeStruct((_N, _V, _V), jnp.float32),
                   jax.ShapeDtypeStruct((_N, _LUT), jnp.float32)),
    )(s3, mul, bias, means, stds, emb3, emb4)

    out3 = pl.pallas_call(
        _stream_kernel,
        grid=(_N // _G,),
        in_specs=[pl.BlockSpec((_G, _V, _F), lambda i: (i, 0, 0)),
                  pl.BlockSpec((_G, _LUT), lambda i: (i, 0)),
                  pl.BlockSpec((_LUT, _F), lambda i: (0, 0)),
                  pl.BlockSpec((_LUT, _F), lambda i: (0, 0))],
        out_specs=pl.BlockSpec((_G, _V, _F), lambda i: (i, 0, 0)),
        out_shape=jax.ShapeDtypeStruct((_N, _V, _F), jnp.float32),
    )(end_output.reshape(_N, _V, _F), d2, emb_in, emb_out)

    return (out3.reshape(_BS, _T, _V, _F),
            ab3.reshape(_BS, _T, _V, _V))

# --- scband reference (transcript-rebuilt; emitter-appended) ---
"""Pipeline reference for scband-graph-embedding-59004260712652 (READ-ONLY COPY).

The authoritative reference and input builder live on the scoring server;
editing this copy changes nothing except your own understanding.
"""

import jax, jax.numpy as jnp
import numpy as np

SHAPE = 2048
BS, T, V, F = 16, 32, 10, 2048


def floyd_warshal(adj_matrix, edge_feature):
    dist_matrix = adj_matrix
    shorst_path = None
    for k in range(10):
        dist_ik = dist_matrix[:, :, k]
        dist_kj = dist_matrix[:, k, :]
        a = dist_kj.shape[1]
        dist_kj = jnp.tile(dist_kj, (1, a))
        dist_kj = dist_kj.reshape(-1, int(dist_kj.shape[1] ** 0.5), 10)
        tt = dist_matrix
        temp = (dist_kj + dist_ik[:, :, None]).astype(jnp.float32)
        dist_matrix = jnp.minimum(dist_matrix, temp)
        x = jnp.where(jnp.equal(dist_matrix, tt), 0.0, 1.0).astype(jnp.float32)
        if shorst_path is None:
            shorst_path = x * edge_feature
        else:
            shorst_path = shorst_path + x * edge_feature
    return dist_matrix, shorst_path


def gaussian_layer(x, S, mul, bias, means, stds):
    # x: (bs, T, V, F) unused except shape; S: (bs, T, V, V)
    h = jnp.matmul(S, mul) + bias
    pi = 3.14159
    a = (2 * pi) ** 0.5
    tmp = jnp.exp(-0.5 * ((h - means) / stds) ** 2) / (a * stds)
    return jax.nn.sigmoid(tmp)


def setup_inputs(seed: int = 0) -> dict:
    key = jax.random.key(seed)
    ks = jax.random.split(key, 12)
    end_output = jax.random.normal(ks[0], (BS, T, V, F), dtype=jnp.float32)
    S = jax.random.randint(ks[1], (BS, T, V, V), 0, 2).astype(jnp.float32)
    u = lambda k, shp: jax.random.uniform(k, shp, dtype=jnp.float32, minval=-0.05, maxval=0.05)
    emb_in = u(ks[2], (SHAPE, SHAPE))
    emb_out = u(ks[3], (SHAPE, SHAPE))
    emb3 = u(ks[4], (10, 10))
    emb4 = u(ks[5], (10, 10))
    mul = u(ks[6], (V, V))
    bias = u(ks[7], (V, V))
    means = u(ks[8], (1, V))
    stds = jax.random.uniform(ks[9], (1, V), dtype=jnp.float32, minval=0.01, maxval=0.06)
    return {"end_output": end_output, "S": S, "emb_in": emb_in, "emb_out": emb_out,
            "emb3": emb3, "emb4": emb4, "mul": mul, "bias": bias, "means": means, "stds": stds}


def reference(end_output, S, emb_in, emb_out, emb3, emb4, mul, bias, means, stds):
    S = jnp.minimum(S, jnp.transpose(S, (0, 1, 3, 2)))
    edge_feature = jnp.tanh(gaussian_layer(end_output, S, mul, bias, means, stds))
    outputs = []
    atten_bias = []
    for time_step in range(T):
        A = S[:, time_step, :, :]
        D = jnp.sum(A, axis=1)
        D_idx = D.astype(jnp.int32)
        D_embedding_in = jnp.take(emb_in, D_idx, axis=0)
        D_embedding_out = jnp.take(emb_out, D_idx, axis=0)
        D_embedding = D_embedding_in + D_embedding_out
        output = end_output[:, time_step, :, :] + D_embedding
        Spatial, Edge = floyd_warshal(A, edge_feature[:, time_step, :, :])
        Spatial = Spatial.astype(jnp.float32)
        Spatial_Encoding = jnp.take(emb3, Spatial.astype(jnp.int32), axis=0)
        Spatial_Encoding = jnp.sum(Spatial_Encoding, axis=-2)
        Edge_Encoding = jnp.take(emb4, Edge.astype(jnp.int32), axis=0)
        Edge_Encoding = jnp.sum(Edge_Encoding, axis=-2)
        atten_bia = Edge_Encoding + Spatial_Encoding
        atten_bias.append(atten_bia)
        outputs.append(output)
    outputs = jnp.stack(outputs, axis=1)
    atten_bias = jnp.stack(atten_bias, axis=1)
    return (outputs, atten_bias)

if __name__ == "__main__":
    import jax
    _d = setup_inputs()
    print(jax.jit(kernel)(*tuple(_d.values())))

</pallas_src>

<mosaic_0001>
module attributes {stable_mosaic.version = 14 : i64} {
  func.func @_stream_kernel(%arg0: i32, %arg1: memref<32x10x2048xf32, #tpu.memory_space<vmem>>, %arg2: memref<32x16xf32, #tpu.memory_space<vmem>>, %arg3: memref<16x2048xf32, #tpu.memory_space<vmem>>, %arg4: memref<16x2048xf32, #tpu.memory_space<vmem>>, %arg5: memref<32x10x2048xf32, #tpu.memory_space<vmem>>) attributes {dimension_semantics = [#tpu.dimension_semantics<arbitrary>], iteration_bounds = array<i64: 16>, scalar_prefetch = 0 : i64, scratch_operands = 0 : i64, tpu.core_type = #tpu.core_type<tc>, window_params = [{transform_indices = @transform_0, window_bounds = array<i64: 32, 10, 2048>}, {transform_indices = @transform_1, window_bounds = array<i64: 32, 16>}, {transform_indices = @transform_2, window_bounds = array<i64: 16, 2048>}, {transform_indices = @transform_3, window_bounds = array<i64: 16, 2048>}, {transform_indices = @transform_4, window_bounds = array<i64: 32, 10, 2048>}]} {
    %get3A = arith.constant 0 : index
    %get3A_0 = arith.constant 0 : index
    %get3A_1 = vector.load %arg3[%get3A, %get3A_0] : memref<16x2048xf32, #tpu.memory_space<vmem>>, vector<16x2048xf32>
    %get3A_2 = arith.constant 0 : index
    %get3A_3 = arith.constant 0 : index
    %get3A_4 = vector.load %arg4[%get3A_2, %get3A_3] : memref<16x2048xf32, #tpu.memory_space<vmem>>, vector<16x2048xf32>
    %add3A = arith.addf %get3A_1, %get3A_4 : vector<16x2048xf32>
    %get3A_5 = arith.constant 0 : index
    %get3A_6 = arith.constant 0 : index
    %get3A_7 = vector.load %arg2[%get3A_5, %get3A_6] : memref<32x16xf32, #tpu.memory_space<vmem>>, vector<32x16xf32>
    %convert_element_type3A = arith.fptosi %get3A_7 : vector<32x16xf32> to vector<32x16xi32>
    %iota3A = tpu.iota {dimensions = array<i32: 1>} : vector<1x16xi32>
    %slice3A = vector.extract_strided_slice %convert_element_type3A {offsets = [0, 0], sizes = [32, 1], strides = [1, 1]} : vector<32x16xi32> to vector<32x1xi32>
    %eq3A = vector.broadcast %slice3A : vector<32x1xi32> to vector<32x16xi32>
    %eq3A_8 = vector.broadcast %iota3A : vector<1x16xi32> to vector<32x16xi32>
    %eq3A_9 = arith.cmpi eq, %eq3A, %eq3A_8 : vector<32x16xi32>
    %convert_element_type3A_10 = arith.extui %eq3A_9 : vector<32x16xi1> to vector<32x16xi32>
    %convert_element_type3A_11 = arith.sitofp %convert_element_type3A_10 : vector<32x16xi32> to vector<32x16xf32>
    %dot_general3A = arith.constant dense<0.000000e+00> : vector<32x2048xf32>
    %dot_general3A_12 = tpu.matmul %convert_element_type3A_11, %add3A, %dot_general3A {dimension_numbers = #tpu.dot_dimension_numbers<[1], [0], [0], [1], [0, 0, 1, 1], [], []>, precision = #tpu.contract_precision<fp32>, transpose_lhs_hint = false} : vector<32x16xf32>, vector<16x2048xf32>, vector<32x2048xf32> -> vector<32x2048xf32>
    %get3A_13 = arith.constant 0 : index
    %get3A_14 = arith.constant 0 : index
    %get3A_15 = arith.constant 0 : index
    %get3A_16 = vector.load %arg1[%get3A_13, %get3A_14, %get3A_15] : memref<32x10x2048xf32, #tpu.memory_space<vmem>>, vector<32x1x2048xf32>
    %get3A_17 = vector.shape_cast %get3A_16 : vector<32x1x2048xf32> to vector<32x2048xf32>
    %add3A_18 = arith.addf %get3A_17, %dot_general3A_12 : vector<32x2048xf32>
    %swap3A = arith.constant 0 : index
    %swap3A_19 = arith.constant 0 : index
    %swap3A_20 = arith.constant 0 : index
    %swap3A_21 = vector.load %arg5[%swap3A, %swap3A_19, %swap3A_20] : memref<32x10x2048xf32, #tpu.memory_space<vmem>>, vector<32x1x2048xf32>
    %swap3A_22 = vector.shape_cast %swap3A_21 : vector<32x1x2048xf32> to vector<32x2048xf32>
    %swap3A_23 = vector.shape_cast %add3A_18 : vector<32x2048xf32> to vector<32x1x2048xf32>
    tpu.vector_store %arg5[%swap3A, %swap3A_19, %swap3A_20], %swap3A_23 {strides = array<i32>} : memref<32x10x2048xf32, #tpu.memory_space<vmem>>, vector<32x1x2048xf32>,
    %slice3A_24 = vector.extract_strided_slice %convert_element_type3A {offsets = [0, 1], sizes = [32, 1], strides = [1, 1]} : vector<32x16xi32> to vector<32x1xi32>
    %eq3A_25 = vector.broadcast %slice3A_24 : vector<32x1xi32> to vector<32x16xi32>
    %eq3A_26 = vector.broadcast %iota3A : vector<1x16xi32> to vector<32x16xi32>
    %eq3A_27 = arith.cmpi eq, %eq3A_25, %eq3A_26 : vector<32x16xi32>
    %convert_element_type3A_28 = arith.extui %eq3A_27 : vector<32x16xi1> to vector<32x16xi32>
    %convert_element_type3A_29 = arith.sitofp %convert_element_type3A_28 : vector<32x16xi32> to vector<32x16xf32>
    %dot_general3A_30 = arith.constant dense<0.000000e+00> : vector<32x2048xf32>
    %dot_general3A_31 = tpu.matmul %convert_element_type3A_29, %add3A, %dot_general3A_30 {dimension_numbers = #tpu.dot_dimension_numbers<[1], [0], [0], [1], [0, 0, 1, 1], [], []>, precision = #tpu.contract_precision<fp32>, transpose_lhs_hint = false} : vector<32x16xf32>, vector<16x2048xf32>, vector<32x2048xf32> -> vector<32x2048xf32>
    %get3A_32 = arith.constant 0 : index
    %get3A_33 = arith.constant 1 : index
    %get3A_34 = arith.constant 0 : index
    %get3A_35 = vector.load %arg1[%get3A_32, %get3A_33, %get3A_34] : memref<32x10x2048xf32, #tpu.memory_space<vmem>>, vector<32x1x2048xf32>
    %get3A_36 = vector.shape_cast %get3A_35 : vector<32x1x2048xf32> to vector<32x2048xf32>
    %add3A_37 = arith.addf %get3A_36, %dot_general3A_31 : vector<32x2048xf32>
    %swap3A_38 = arith.constant 0 : index
    %swap3A_39 = arith.constant 1 : index
    %swap3A_40 = arith.constant 0 : index
    %swap3A_41 = vector.load %arg5[%swap3A_38, %swap3A_39, %swap3A_40] : memref<32x10x2048xf32, #tpu.memory_space<vmem>>, vector<32x1x2048xf32>
    %swap3A_42 = vector.shape_cast %swap3A_41 : vector<32x1x2048xf32> to vector<32x2048xf32>
    %swap3A_43 = vector.shape_cast %add3A_37 : vector<32x2048xf32> to vector<32x1x2048xf32>
    tpu.vector_store %arg5[%swap3A_38, %swap3A_39, %swap3A_40], %swap3A_43 {strides = array<i32>} : memref<32x10x2048xf32, #tpu.memory_space<vmem>>, vector<32x1x2048xf32>,
    %slice3A_44 = vector.extract_strided_slice %convert_element_type3A {offsets = [0, 2], sizes = [32, 1], strides = [1, 1]} : vector<32x16xi32> to vector<32x1xi32>
    %eq3A_45 = vector.broadcast %slice3A_44 : vector<32x1xi32> to vector<32x16xi32>
    %eq3A_46 = vector.broadcast %iota3A : vector<1x16xi32> to vector<32x16xi32>
    %eq3A_47 = arith.cmpi eq, %eq3A_45, %eq3A_46 : vector<32x16xi32>
    %convert_element_type3A_48 = arith.extui %eq3A_47 : vector<32x16xi1> to vector<32x16xi32>
    %convert_element_type3A_49 = arith.sitofp %convert_element_type3A_48 : vector<32x16xi32> to vector<32x16xf32>
    %dot_general3A_50 = arith.constant dense<0.000000e+00> : vector<32x2048xf32>
    %dot_general3A_51 = tpu.matmul %convert_element_type3A_49, %add3A, %dot_general3A_50 {dimension_numbers = #tpu.dot_dimension_numbers<[1], [0], [0], [1], [0, 0, 1, 1], [], []>, precision = #tpu.contract_precision<fp32>, transpose_lhs_hint = false} : vector<32x16xf32>, vector<16x2048xf32>, vector<32x2048xf32> -> vector<32x2048xf32>
    %get3A_52 = arith.constant 0 : index
    %get3A_53 = arith.constant 2 : index
    %get3A_54 = arith.constant 0 : index
    %get3A_55 = vector.load %arg1[%get3A_52, %get3A_53, %get3A_54] : memref<32x10x2048xf32, #tpu.memory_space<vmem>>, vector<32x1x2048xf32>
    %get3A_56 = vector.shape_cast %get3A_55 : vector<32x1x2048xf32> to vector<32x2048xf32>
    %add3A_57 = arith.addf %get3A_56, %dot_general3A_51 : vector<32x2048xf32>
    %swap3A_58 = arith.constant 0 : index
    %swap3A_59 = arith.constant 2 : index
    %swap3A_60 = arith.constant 0 : index
    %swap3A_61 = vector.load %arg5[%swap3A_58, %swap3A_59, %swap3A_60] : memref<32x10x2048xf32, #tpu.memory_space<vmem>>, vector<32x1x2048xf32>
    %swap3A_62 = vector.shape_cast %swap3A_61 : vector<32x1x2048xf32> to vector<32x2048xf32>
    %swap3A_63 = vector.shape_cast %add3A_57 : vector<32x2048xf32> to vector<32x1x2048xf32>
    tpu.vector_store %arg5[%swap3A_58, %swap3A_59, %swap3A_60], %swap3A_63 {strides = array<i32>} : memref<32x10x2048xf32, #tpu.memory_space<vmem>>, vector<32x1x2048xf32>,
    %slice3A_64 = vector.extract_strided_slice %convert_element_type3A {offsets = [0, 3], sizes = [32, 1], strides = [1, 1]} : vector<32x16xi32> to vector<32x1xi32>
    %eq3A_65 = vector.broadcast %slice3A_64 : vector<32x1xi32> to vector<32x16xi32>
    %eq3A_66 = vector.broadcast %iota3A : vector<1x16xi32> to vector<32x16xi32>
    %eq3A_67 = arith.cmpi eq, %eq3A_65, %eq3A_66 : vector<32x16xi32>
    %convert_element_type3A_68 = arith.extui %eq3A_67 : vector<32x16xi1> to vector<32x16xi32>
    %convert_element_type3A_69 = arith.sitofp %convert_element_type3A_68 : vector<32x16xi32> to vector<32x16xf32>
    %dot_general3A_70 = arith.constant dense<0.000000e+00> : vector<32x2048xf32>
    %dot_general3A_71 = tpu.matmul %convert_element_type3A_69, %add3A, %dot_general3A_70 {dimension_numbers = #tpu.dot_dimension_numbers<[1], [0], [0], [1], [0, 0, 1, 1], [], []>, precision = #tpu.contract_precision<fp32>, transpose_lhs_hint = false} : vector<32x16xf32>, vector<16x2048xf32>, vector<32x2048xf32> -> vector<32x2048xf32>
    %get3A_72 = arith.constant 0 : index
    %get3A_73 = arith.constant 3 : index
    %get3A_74 = arith.constant 0 : index
    %get3A_75 = vector.load %arg1[%get3A_72, %get3A_73, %get3A_74] : memref<32x10x2048xf32, #tpu.memory_space<vmem>>, vector<32x1x2048xf32>
    %get3A_76 = vector.shape_cast %get3A_75 : vector<32x1x2048xf32> to vector<32x2048xf32>
    %add3A_77 = arith.addf %get3A_76, %dot_general3A_71 : vector<32x2048xf32>
    %swap3A_78 = arith.constant 0 : index
    %swap3A_79 = arith.constant 3 : index
    %swap3A_80 = arith.constant 0 : index
    %swap3A_81 = vector.load %arg5[%swap3A_78, %swap3A_79, %swap3A_80] : memref<32x10x2048xf32, #tpu.memory_space<vmem>>, vector<32x1x2048xf32>
    %swap3A_82 = vector.shape_cast %swap3A_81 : vector<32x1x2048xf32> to vector<32x2048xf32>
    %swap3A_83 = vector.shape_cast %add3A_77 : vector<32x2048xf32> to vector<32x1x2048xf32>
    tpu.vector_store %arg5[%swap3A_78, %swap3A_79, %swap3A_80], %swap3A_83 {strides = array<i32>} : memref<32x10x2048xf32, #tpu.memory_space<vmem>>, vector<32x1x2048xf32>,
    %slice3A_84 = vector.extract_strided_slice %convert_element_type3A {offsets = [0, 4], sizes = [32, 1], strides = [1, 1]} : vector<32x16xi32> to vector<32x1xi32>
    %eq3A_85 = vector.broadcast %slice3A_84 : vector<32x1xi32> to vector<32x16xi32>
    %eq3A_86 = vector.broadcast %iota3A : vector<1x16xi32> to vector<32x16xi32>
    %eq3A_87 = arith.cmpi eq, %eq3A_85, %eq3A_86 : vector<32x16xi32>
    %convert_element_type3A_88 = arith.extui %eq3A_87 : vector<32x16xi1> to vector<32x16xi32>
    %convert_element_type3A_89 = arith.sitofp %convert_element_type3A_88 : vector<32x16xi32> to vector<32x16xf32>
    %dot_general3A_90 = arith.constant dense<0.000000e+00> : vector<32x2048xf32>
    %dot_general3A_91 = tpu.matmul %convert_element_type3A_89, %add3A, %dot_general3A_90 {dimension_numbers = #tpu.dot_dimension_numbers<[1], [0], [0], [1], [0, 0, 1, 1], [], []>, precision = #tpu.contract_precision<fp32>, transpose_lhs_hint = false} : vector<32x16xf32>, vector<16x2048xf32>, vector<32x2048xf32> -> vector<32x2048xf32>
    %get3A_92 = arith.constant 0 : index
    %get3A_93 = arith.constant 4 : index
    %get3A_94 = arith.constant 0 : index
    %get3A_95 = vector.load %arg1[%get3A_92, %get3A_93, %get3A_94] : memref<32x10x2048xf32, #tpu.memory_space<vmem>>, vector<32x1x2048xf32>
    %get3A_96 = vector.shape_cast %get3A_95 : vector<32x1x2048xf32> to vector<32x2048xf32>
    %add3A_97 = arith.addf %get3A_96, %dot_general3A_91 : vector<32x2048xf32>
    %swap3A_98 = arith.constant 0 : index
    %swap3A_99 = arith.constant 4 : index
    %swap3A_100 = arith.constant 0 : index
    %swap3A_101 = vector.load %arg5[%swap3A_98, %swap3A_99, %swap3A_100] : memref<32x10x2048xf32, #tpu.memory_space<vmem>>, vector<32x1x2048xf32>
    %swap3A_102 = vector.shape_cast %swap3A_101 : vector<32x1x2048xf32> to vector<32x2048xf32>
    %swap3A_103 = vector.shape_cast %add3A_97 : vector<32x2048xf32> to vector<32x1x2048xf32>
    tpu.vector_store %arg5[%swap3A_98, %swap3A_99, %swap3A_100], %swap3A_103 {strides = array<i32>} : memref<32x10x2048xf32, #tpu.memory_space<vmem>>, vector<32x1x2048xf32>,
    %slice3A_104 = vector.extract_strided_slice %convert_element_type3A {offsets = [0, 5], sizes = [32, 1], strides = [1, 1]} : vector<32x16xi32> to vector<32x1xi32>
    %eq3A_105 = vector.broadcast %slice3A_104 : vector<32x1xi32> to vector<32x16xi32>
    %eq3A_106 = vector.broadcast %iota3A : vector<1x16xi32> to vector<32x16xi32>
    %eq3A_107 = arith.cmpi eq, %eq3A_105, %eq3A_106 : vector<32x16xi32>
    %convert_element_type3A_108 = arith.extui %eq3A_107 : vector<32x16xi1> to vector<32x16xi32>
    %convert_element_type3A_109 = arith.sitofp %convert_element_type3A_108 : vector<32x16xi32> to vector<32x16xf32>
    %dot_general3A_110 = arith.constant dense<0.000000e+00> : vector<32x2048xf32>
    %dot_general3A_111 = tpu.matmul %convert_element_type3A_109, %add3A, %dot_general3A_110 {dimension_numbers = #tpu.dot_dimension_numbers<[1], [0], [0], [1], [0, 0, 1, 1], [], []>, precision = #tpu.contract_precision<fp32>, transpose_lhs_hint = false} : vector<32x16xf32>, vector<16x2048xf32>, vector<32x2048xf32> -> vector<32x2048xf32>
    %get3A_112 = arith.constant 0 : index
    %get3A_113 = arith.constant 5 : index
    %get3A_114 = arith.constant 0 : index
    %get3A_115 = vector.load %arg1[%get3A_112, %get3A_113, %get3A_114] : memref<32x10x2048xf32, #tpu.memory_space<vmem>>, vector<32x1x2048xf32>
    %get3A_116 = vector.shape_cast %get3A_115 : vector<32x1x2048xf32> to vector<32x2048xf32>
    %add3A_117 = arith.addf %get3A_116, %dot_general3A_111 : vector<32x2048xf32>
    %swap3A_118 = arith.constant 0 : index
    %swap3A_119 = arith.constant 5 : index
    %swap3A_120 = arith.constant 0 : index
    %swap3A_121 = vector.load %arg5[%swap3A_118, %swap3A_119, %swap3A_120] : memref<32x10x2048xf32, #tpu.memory_space<vmem>>, vector<32x1x2048xf32>
    %swap3A_122 = vector.shape_cast %swap3A_121 : vector<32x1x2048xf32> to vector<32x2048xf32>
    %swap3A_123 = vector.shape_cast %add3A_117 : vector<32x2048xf32> to vector<32x1x2048xf32>
    tpu.vector_store %arg5[%swap3A_118, %swap3A_119, %swap3A_120], %swap3A_123 {strides = array<i32>} : memref<32x10x2048xf32, #tpu.memory_space<vmem>>, vector<32x1x2048xf32>,
    %slice3A_124 = vector.extract_strided_slice %convert_element_type3A {offsets = [0, 6], sizes = [32, 1], strides = [1, 1]} : vector<32x16xi32> to vector<32x1xi32>
    %eq3A_125 = vector.broadcast %slice3A_124 : vector<32x1xi32> to vector<32x16xi32>
    %eq3A_126 = vector.broadcast %iota3A : vector<1x16xi32> to vector<32x16xi32>
    %eq3A_127 = arith.cmpi eq, %eq3A_125, %eq3A_126 : vector<32x16xi32>
    %convert_element_type3A_128 = arith.extui %eq3A_127 : vector<32x16xi1> to vector<32x16xi32>
    %convert_element_type3A_129 = arith.sitofp %convert_element_type3A_128 : vector<32x16xi32> to vector<32x16xf32>
    %dot_general3A_130 = arith.constant dense<0.000000e+00> : vector<32x2048xf32>
    %dot_general3A_131 = tpu.matmul %convert_element_type3A_129, %add3A, %dot_general3A_130 {dimension_numbers = #tpu.dot_dimension_numbers<[1], [0], [0], [1], [0, 0, 1, 1], [], []>, precision = #tpu.contract_precision<fp32>, transpose_lhs_hint = false} : vector<32x16xf32>, vector<16x2048xf32>, vector<32x2048xf32> -> vector<32x2048xf32>
    %get3A_132 = arith.constant 0 : index
    %get3A_133 = arith.constant 6 : index
    %get3A_134 = arith.constant 0 : index
    %get3A_135 = vector.load %arg1[%get3A_132, %get3A_133, %get3A_134] : memref<32x10x2048xf32, #tpu.memory_space<vmem>>, vector<32x1x2048xf32>
    %get3A_136 = vector.shape_cast %get3A_135 : vector<32x1x2048xf32> to vector<32x2048xf32>
    %add3A_137 = arith.addf %get3A_136, %dot_general3A_131 : vector<32x2048xf32>
    %swap3A_138 = arith.constant 0 : index
    %swap3A_139 = arith.constant 6 : index
    %swap3A_140 = arith.constant 0 : index
    %swap3A_141 = vector.load %arg5[%swap3A_138, %swap3A_139, %swap3A_140] : memref<32x10x2048xf32, #tpu.memory_space<vmem>>, vector<32x1x2048xf32>
    %swap3A_142 = vector.shape_cast %swap3A_141 : vector<32x1x2048xf32> to vector<32x2048xf32>
    %swap3A_143 = vector.shape_cast %add3A_137 : vector<32x2048xf32> to vector<32x1x2048xf32>
    tpu.vector_store %arg5[%swap3A_138, %swap3A_139, %swap3A_140], %swap3A_143 {strides = array<i32>} : memref<32x10x2048xf32, #tpu.memory_space<vmem>>, vector<32x1x2048xf32>,
    %slice3A_144 = vector.extract_strided_slice %convert_element_type3A {offsets = [0, 7], sizes = [32, 1], strides = [1, 1]} : vector<32x16xi32> to vector<32x1xi32>
    %eq3A_145 = vector.broadcast %slice3A_144 : vector<32x1xi32> to vector<32x16xi32>
    %eq3A_146 = vector.broadcast %iota3A : vector<1x16xi32> to vector<32x16xi32>
    %eq3A_147 = arith.cmpi eq, %eq3A_145, %eq3A_146 : vector<32x16xi32>
    %convert_element_type3A_148 = arith.extui %eq3A_147 : vector<32x16xi1> to vector<32x16xi32>
    %convert_element_type3A_149 = arith.sitofp %convert_element_type3A_148 : vector<32x16xi32> to vector<32x16xf32>
    %dot_general3A_150 = arith.constant dense<0.000000e+00> : vector<32x2048xf32>
    %dot_general3A_151 = tpu.matmul %convert_element_type3A_149, %add3A, %dot_general3A_150 {dimension_numbers = #tpu.dot_dimension_numbers<[1], [0], [0], [1], [0, 0, 1, 1], [], []>, precision = #tpu.contract_precision<fp32>, transpose_lhs_hint = false} : vector<32x16xf32>, vector<16x2048xf32>, vector<32x2048xf32> -> vector<32x2048xf32>
    %get3A_152 = arith.constant 0 : index
    %get3A_153 = arith.constant 7 : index
    %get3A_154 = arith.constant 0 : index
    %get3A_155 = vector.load %arg1[%get3A_152, %get3A_153, %get3A_154] : memref<32x10x2048xf32, #tpu.memory_space<vmem>>, vector<32x1x2048xf32>
    %get3A_156 = vector.shape_cast %get3A_155 : vector<32x1x2048xf32> to vector<32x2048xf32>
    %add3A_157 = arith.addf %get3A_156, %dot_general3A_151 : vector<32x2048xf32>
    %swap3A_158 = arith.constant 0 : index
    %swap3A_159 = arith.constant 7 : index
    %swap3A_160 = arith.constant 0 : index
    %swap3A_161 = vector.load %arg5[%swap3A_158, %swap3A_159, %swap3A_160] : memref<32x10x2048xf32, #tpu.memory_space<vmem>>, vector<32x1x2048xf32>
    %swap3A_162 = vector.shape_cast %swap3A_161 : vector<32x1x2048xf32> to vector<32x2048xf32>
    %swap3A_163 = vector.shape_cast %add3A_157 : vector<32x2048xf32> to vector<32x1x2048xf32>
    tpu.vector_store %arg5[%swap3A_158, %swap3A_159, %swap3A_160], %swap3A_163 {strides = array<i32>} : memref<32x10x2048xf32, #tpu.memory_space<vmem>>, vector<32x1x2048xf32>,
    %slice3A_164 = vector.extract_strided_slice %convert_element_type3A {offsets = [0, 8], sizes = [32, 1], strides = [1, 1]} : vector<32x16xi32> to vector<32x1xi32>
    %eq3A_165 = vector.broadcast %slice3A_164 : vector<32x1xi32> to vector<32x16xi32>
    %eq3A_166 = vector.broadcast %iota3A : vector<1x16xi32> to vector<32x16xi32>
    %eq3A_167 = arith.cmpi eq, %eq3A_165, %eq3A_166 : vector<32x16xi32>
    %convert_element_type3A_168 = arith.extui %eq3A_167 : vector<32x16xi1> to vector<32x16xi32>
    %convert_element_type3A_169 = arith.sitofp %convert_element_type3A_168 : vector<32x16xi32> to vector<32x16xf32>
    %dot_general3A_170 = arith.constant dense<0.000000e+00> : vector<32x2048xf32>
    %dot_general3A_171 = tpu.matmul %convert_element_type3A_169, %add3A, %dot_general3A_170 {dimension_numbers = #tpu.dot_dimension_numbers<[1], [0], [0], [1], [0, 0, 1, 1], [], []>, precision = #tpu.contract_precision<fp32>, transpose_lhs_hint = false} : vector<32x16xf32>, vector<16x2048xf32>, vector<32x2048xf32> -> vector<32x2048xf32>
    %get3A_172 = arith.constant 0 : index
    %get3A_173 = arith.constant 8 : index
    %get3A_174 = arith.constant 0 : index
    %get3A_175 = vector.load %arg1[%get3A_172, %get3A_173, %get3A_174] : memref<32x10x2048xf32, #tpu.memory_space<vmem>>, vector<32x1x2048xf32>
    %get3A_176 = vector.shape_cast %get3A_175 : vector<32x1x2048xf32> to vector<32x2048xf32>
    %add3A_177 = arith.addf %get3A_176, %dot_general3A_171 : vector<32x2048xf32>
    %swap3A_178 = arith.constant 0 : index
    %swap3A_179 = arith.constant 8 : index
    %swap3A_180 = arith.constant 0 : index
    %swap3A_181 = vector.load %arg5[%swap3A_178, %swap3A_179, %swap3A_180] : memref<32x10x2048xf32, #tpu.memory_space<vmem>>, vector<32x1x2048xf32>
    %swap3A_182 = vector.shape_cast %swap3A_181 : vector<32x1x2048xf32> to vector<32x2048xf32>
    %swap3A_183 = vector.shape_cast %add3A_177 : vector<32x2048xf32> to vector<32x1x2048xf32>
    tpu.vector_store %arg5[%swap3A_178, %swap3A_179, %swap3A_180], %swap3A_183 {strides = array<i32>} : memref<32x10x2048xf32, #tpu.memory_space<vmem>>, vector<32x1x2048xf32>,
    %slice3A_184 = vector.extract_strided_slice %convert_element_type3A {offsets = [0, 9], sizes = [32, 1], strides = [1, 1]} : vector<32x16xi32> to vector<32x1xi32>
    %eq3A_185 = vector.broadcast %slice3A_184 : vector<32x1xi32> to vector<32x16xi32>
    %eq3A_186 = vector.broadcast %iota3A : vector<1x16xi32> to vector<32x16xi32>
    %eq3A_187 = arith.cmpi eq, %eq3A_185, %eq3A_186 : vector<32x16xi32>
    %convert_element_type3A_188 = arith.extui %eq3A_187 : vector<32x16xi1> to vector<32x16xi32>
    %convert_element_type3A_189 = arith.sitofp %convert_element_type3A_188 : vector<32x16xi32> to vector<32x16xf32>
    %dot_general3A_190 = arith.constant dense<0.000000e+00> : vector<32x2048xf32>
    %dot_general3A_191 = tpu.matmul %convert_element_type3A_189, %add3A, %dot_general3A_190 {dimension_numbers = #tpu.dot_dimension_numbers<[1], [0], [0], [1], [0, 0, 1, 1], [], []>, precision = #tpu.contract_precision<fp32>, transpose_lhs_hint = false} : vector<32x16xf32>, vector<16x2048xf32>, vector<32x2048xf32> -> vector<32x2048xf32>
    %get3A_192 = arith.constant 0 : index
    %get3A_193 = arith.constant 9 : index
    %get3A_194 = arith.constant 0 : index
    %get3A_195 = vector.load %arg1[%get3A_192, %get3A_193, %get3A_194] : memref<32x10x2048xf32, #tpu.memory_space<vmem>>, vector<32x1x2048xf32>
    %get3A_196 = vector.shape_cast %get3A_195 : vector<32x1x2048xf32> to vector<32x2048xf32>
    %add3A_197 = arith.addf %get3A_196, %dot_general3A_191 : vector<32x2048xf32>
    %swap3A_198 = arith.constant 0 : index
    %swap3A_199 = arith.constant 9 : index
    %swap3A_200 = arith.constant 0 : index
    %swap3A_201 = vector.load %arg5[%swap3A_198, %swap3A_199, %swap3A_200] : memref<32x10x2048xf32, #tpu.memory_space<vmem>>, vector<32x1x2048xf32>
    %swap3A_202 = vector.shape_cast %swap3A_201 : vector<32x1x2048xf32> to vector<32x2048xf32>
    %swap3A_203 = vector.shape_cast %add3A_197 : vector<32x2048xf32> to vector<32x1x2048xf32>
    tpu.vector_store %arg5[%swap3A_198, %swap3A_199, %swap3A_200], %swap3A_203 {strides = array<i32>} : memref<32x10x2048xf32, #tpu.memory_space<vmem>>, vector<32x1x2048xf32>,
    return
  }
  func.func @transform_0(%arg0: i32) -> (i32, i32, i32) {
    %c0_i32 = arith.constant 0 : i32
    %c0_i32_0 = arith.constant 0 : i32
    %c0_i32_1 = arith.constant 0 : i32
    return %arg0, %c0_i32, %c0_i32_0 : i32, i32, i32
  }
  func.func @transform_1(%arg0: i32) -> (i32, i32) {
    %c0_i32 = arith.constant 0 : i32
    %c0_i32_0 = arith.constant 0 : i32
    return %arg0, %c0_i32 : i32, i32
  }
  func.func @transform_2(%arg0: i32) -> (i32, i32) {
    %c0_i32 = arith.constant 0 : i32
    %c0_i32_0 = arith.constant 0 : i32
    %c0_i32_1 = arith.constant 0 : i32
    return %c0_i32, %c0_i32_0 : i32, i32
  }
  func.func @transform_3(%arg0: i32) -> (i32, i32) {
    %c0_i32 = arith.constant 0 : i32
    %c0_i32_0 = arith.constant 0 : i32
    %c0_i32_1 = arith.constant 0 : i32
    return %c0_i32, %c0_i32_0 : i32, i32
  }
  func.func @transform_4(%arg0: i32) -> (i32, i32, i32) {
    %c0_i32 = arith.constant 0 : i32
    %c0_i32_0 = arith.constant 0 : i32
    %c0_i32_1 = arith.constant 0 : i32
    return %arg0, %c0_i32, %c0_i32_0 : i32, i32, i32
  }
}

module attributes {stable_mosaic.version = 14 : i64} {
  func.func @_small_kernel(%arg0: memref<512x10x10xf32, #tpu.memory_space<vmem>>, %arg1: memref<10x10xf32, #tpu.memory_space<vmem>>, %arg2: memref<10x10xf32, #tpu.memory_space<vmem>>, %arg3: memref<1x10xf32, #tpu.memory_space<vmem>>, %arg4: memref<1x10xf32, #tpu.memory_space<vmem>>, %arg5: memref<10x10xf32, #tpu.memory_space<vmem>>, %arg6: memref<10x10xf32, #tpu.memory_space<vmem>>, %arg7: memref<512x10x10xf32, #tpu.memory_space<vmem>>, %arg8: memref<512x16xf32, #tpu.memory_space<vmem>>) attributes {dimension_semantics = [], scalar_prefetch = 0 : i64, scratch_operands = 0 : i64, tpu.core_type = #tpu.core_type<tc>} {
    %iota3A = tpu.iota {dimensions = array<i32: 0>} : vector<100x100xi32>
    %convert_element_type3A = arith.sitofp %iota3A : vector<100x100xi32> to vector<100x100xf32>
    %iota3A_0 = tpu.iota {dimensions = array<i32: 1>} : vector<100x100xi32>
    %convert_element_type3A_1 = arith.sitofp %iota3A_0 : vector<100x100xi32> to vector<100x100xf32>
    %mul3A = arith.constant 1.000000e-01 : f32
    %mul3A_2 = vector.broadcast %mul3A : f32 to vector<100x100xf32>
    %mul3A_3 = arith.mulf %convert_element_type3A_1, %mul3A_2 : vector<100x100xf32>
    %floor3A = math.floor %mul3A_3 : vector<100x100xf32>
    %mul3A_4 = arith.constant 1.000000e+01 : f32
    %mul3A_5 = vector.broadcast %mul3A_4 : f32 to vector<100x100xf32>
    %mul3A_6 = arith.mulf %mul3A_5, %floor3A : vector<100x100xf32>
    %sub3A = arith.subf %convert_element_type3A_1, %mul3A_6 : vector<100x100xf32>
    %mul3A_7 = arith.constant 1.000000e-01 : f32
    %mul3A_8 = vector.broadcast %mul3A_7 : f32 to vector<100x100xf32>
    %mul3A_9 = arith.mulf %convert_element_type3A, %mul3A_8 : vector<100x100xf32>
    %floor3A_10 = math.floor %mul3A_9 : vector<100x100xf32>
    %iota3A_11 = tpu.iota {dimensions = array<i32: 0>} : vector<10x100xi32>
    %convert_element_type3A_12 = arith.sitofp %iota3A_11 : vector<10x100xi32> to vector<10x100xf32>
    %iota3A_13 = tpu.iota {dimensions = array<i32: 1>} : vector<10x100xi32>
    %convert_element_type3A_14 = arith.sitofp %iota3A_13 : vector<10x100xi32> to vector<10x100xf32>
    %mul3A_15 = arith.constant 1.000000e-01 : f32
    %mul3A_16 = vector.broadcast %mul3A_15 : f32 to vector<10x100xf32>
    %mul3A_17 = arith.mulf %convert_element_type3A_14, %mul3A_16 : vector<10x100xf32>
    %floor3A_18 = math.floor %mul3A_17 : vector<10x100xf32>
    %mul3A_19 = arith.constant 1.000000e+01 : f32
    %mul3A_20 = vector.broadcast %mul3A_19 : f32 to vector<10x100xf32>
    %mul3A_21 = arith.mulf %mul3A_20, %floor3A_18 : vector<10x100xf32>
    %sub3A_22 = arith.subf %convert_element_type3A_14, %mul3A_21 : vector<10x100xf32>
    %mul3A_23 = arith.constant 1.000000e-01 : f32
    %mul3A_24 = vector.broadcast %mul3A_23 : f32 to vector<10x100xf32>
    %mul3A_25 = arith.mulf %convert_element_type3A_14, %mul3A_24 : vector<10x100xf32>
    %floor3A_26 = math.floor %mul3A_25 : vector<10x100xf32>
    %broadcast_in_dim3A = arith.constant 0.000000e+00 : f32
    %broadcast_in_dim3A_27 = vector.broadcast %broadcast_in_dim3A : f32 to vector<512x100xf32>
    %broadcast_in_dim3A_28 = arith.constant 0.000000e+00 : f32
    %broadcast_in_dim3A_29 = vector.broadcast %broadcast_in_dim3A_28 : f32 to vector<1x100xf32>
    %eq3A = arith.cmpf oeq, %convert_element_type3A_12, %sub3A_22 : vector<10x100xf32>
    %eq3A_30 = arith.constant 0.000000e+00 : f32
    %eq3A_31 = vector.broadcast %eq3A_30 : f32 to vector<10x100xf32>
    %eq3A_32 = arith.cmpf oeq, %floor3A_26, %eq3A_31 : vector<10x100xf32>
    %and3A = arith.andi %eq3A, %eq3A_32 : vector<10x100xi1>
    %convert_element_type3A_33 = arith.extui %and3A : vector<10x100xi1> to vector<10x100xi32>
    %convert_element_type3A_34 = arith.sitofp %convert_element_type3A_33 : vector<10x100xi32> to vector<10x100xf32>
    %get3A = arith.constant 0 : index
    %get3A_35 = arith.constant 0 : index
    %get3A_36 = arith.constant 0 : index
    %get3A_37 = vector.load %arg0[%get3A, %get3A_35, %get3A_36] : memref<512x10x10xf32, #tpu.memory_space<vmem>>, vector<512x1x10xf32>
    %get3A_38 = vector.shape_cast %get3A_37 : vector<512x1x10xf32> to vector<512x10xf32>
    %dot_general3A = arith.constant dense<0.000000e+00> : vector<512x100xf32>
    %dot_general3A_39 = tpu.matmul %get3A_38, %convert_element_type3A_34, %dot_general3A {dimension_numbers = #tpu.dot_dimension_numbers<[1], [0], [0], [1], [0, 0, 1, 1], [], []>, precision = #tpu.contract_precision<fp32>, transpose_lhs_hint = false} : vector<512x10xf32>, vector<10x100xf32>, vector<512x100xf32> -> vector<512x100xf32>
    %add3A = arith.addf %broadcast_in_dim3A_27, %dot_general3A_39 : vector<512x100xf32>
    %get3A_40 = arith.constant 0 : index
    %get3A_41 = arith.constant 0 : index
    %get3A_42 = vector.load %arg2[%get3A_40, %get3A_41] : memref<10x10xf32, #tpu.memory_space<vmem>>, vector<1x10xf32>
    %dot_general3A_43 = arith.constant dense<0.000000e+00> : vector<1x100xf32>
    %dot_general3A_44 = tpu.matmul %get3A_42, %convert_element_type3A_34, %dot_general3A_43 {dimension_numbers = #tpu.dot_dimension_numbers<[1], [0], [0], [1], [0, 0, 1, 1], [], []>, precision = #tpu.contract_precision<fp32>, transpose_lhs_hint = false} : vector<1x10xf32>, vector<10x100xf32>, vector<1x100xf32> -> vector<1x100xf32>
    %add3A_45 = arith.addf %broadcast_in_dim3A_29, %dot_general3A_44 : vector<1x100xf32>
    %eq3A_46 = arith.cmpf oeq, %convert_element_type3A_12, %sub3A_22 : vector<10x100xf32>
    %eq3A_47 = arith.constant 1.000000e+00 : f32
    %eq3A_48 = vector.broadcast %eq3A_47 : f32 to vector<10x100xf32>
    %eq3A_49 = arith.cmpf oeq, %floor3A_26, %eq3A_48 : vector<10x100xf32>
    %and3A_50 = arith.andi %eq3A_46, %eq3A_49 : vector<10x100xi1>
    %convert_element_type3A_51 = arith.extui %and3A_50 : vector<10x100xi1> to vector<10x100xi32>
    %convert_element_type3A_52 = arith.sitofp %convert_element_type3A_51 : vector<10x100xi32> to vector<10x100xf32>
    %get3A_53 = arith.constant 0 : index
    %get3A_54 = arith.constant 1 : index
    %get3A_55 = arith.constant 0 : index
    %get3A_56 = vector.load %arg0[%get3A_53, %get3A_54, %get3A_55] : memref<512x10x10xf32, #tpu.memory_space<vmem>>, vector<512x1x10xf32>
    %get3A_57 = vector.shape_cast %get3A_56 : vector<512x1x10xf32> to vector<512x10xf32>
    %dot_general3A_58 = arith.constant dense<0.000000e+00> : vector<512x100xf32>
    %dot_general3A_59 = tpu.matmul %get3A_57, %convert_element_type3A_52, %dot_general3A_58 {dimension_numbers = #tpu.dot_dimension_numbers<[1], [0], [0], [1], [0, 0, 1, 1], [], []>, precision = #tpu.contract_precision<fp32>, transpose_lhs_hint = false} : vector<512x10xf32>, vector<10x100xf32>, vector<512x100xf32> -> vector<512x100xf32>
    %add3A_60 = arith.addf %add3A, %dot_general3A_59 : vector<512x100xf32>
    %get3A_61 = arith.constant 1 : index
    %get3A_62 = arith.constant 0 : index
    %get3A_63 = vector.load %arg2[%get3A_61, %get3A_62] : memref<10x10xf32, #tpu.memory_space<vmem>>, vector<1x10xf32>
    %dot_general3A_64 = arith.constant dense<0.000000e+00> : vector<1x100xf32>
    %dot_general3A_65 = tpu.matmul %get3A_63, %convert_element_type3A_52, %dot_general3A_64 {dimension_numbers = #tpu.dot_dimension_numbers<[1], [0], [0], [1], [0, 0, 1, 1], [], []>, precision = #tpu.contract_precision<fp32>, transpose_lhs_hint = false} : vector<1x10xf32>, vector<10x100xf32>, vector<1x100xf32> -> vector<1x100xf32>
    %add3A_66 = arith.addf %add3A_45, %dot_general3A_65 : vector<1x100xf32>
    %eq3A_67 = arith.cmpf oeq, %convert_element_type3A_12, %sub3A_22 : vector<10x100xf32>
    %eq3A_68 = arith.constant 2.000000e+00 : f32
    %eq3A_69 = vector.broadcast %eq3A_68 : f32 to vector<10x100xf32>
    %eq3A_70 = arith.cmpf oeq, %floor3A_26, %eq3A_69 : vector<10x100xf32>
    %and3A_71 = arith.andi %eq3A_67, %eq3A_70 : vector<10x100xi1>
    %convert_element_type3A_72 = arith.extui %and3A_71 : vector<10x100xi1> to vector<10x100xi32>
    %convert_element_type3A_73 = arith.sitofp %convert_element_type3A_72 : vector<10x100xi32> to vector<10x100xf32>
    %get3A_74 = arith.constant 0 : index
    %get3A_75 = arith.constant 2 : index
    %get3A_76 = arith.constant 0 : index
    %get3A_77 = vector.load %arg0[%get3A_74, %get3A_75, %get3A_76] : memref<512x10x10xf32, #tpu.memory_space<vmem>>, vector<512x1x10xf32>
    %get3A_78 = vector.shape_cast %get3A_77 : vector<512x1x10xf32> to vector<512x10xf32>
    %dot_general3A_79 = arith.constant dense<0.000000e+00> : vector<512x100xf32>
    %dot_general3A_80 = tpu.matmul %get3A_78, %convert_element_type3A_73, %dot_general3A_79 {dimension_numbers = #tpu.dot_dimension_numbers<[1], [0], [0], [1], [0, 0, 1, 1], [], []>, precision = #tpu.contract_precision<fp32>, transpose_lhs_hint = false} : vector<512x10xf32>, vector<10x100xf32>, vector<512x100xf32> -> vector<512x100xf32>
    %add3A_81 = arith.addf %add3A_60, %dot_general3A_80 : vector<512x100xf32>
    %get3A_82 = arith.constant 2 : index
    %get3A_83 = arith.constant 0 : index
    %get3A_84 = vector.load %arg2[%get3A_82, %get3A_83] : memref<10x10xf32, #tpu.memory_space<vmem>>, vector<1x10xf32>
    %dot_general3A_85 = arith.constant dense<0.000000e+00> : vector<1x100xf32>
    %dot_general3A_86 = tpu.matmul %get3A_84, %convert_element_type3A_73, %dot_general3A_85 {dimension_numbers = #tpu.dot_dimension_numbers<[1], [0], [0], [1], [0, 0, 1, 1], [], []>, precision = #tpu.contract_precision<fp32>, transpose_lhs_hint = false} : vector<1x10xf32>, vector<10x100xf32>, vector<1x100xf32> -> vector<1x100xf32>
    %add3A_87 = arith.addf %add3A_66, %dot_general3A_86 : vector<1x100xf32>
    %eq3A_88 = arith.cmpf oeq, %convert_element_type3A_12, %sub3A_22 : vector<10x100xf32>
    %eq3A_89 = arith.constant 3.000000e+00 : f32
    %eq3A_90 = vector.broadcast %eq3A_89 : f32 to vector<10x100xf32>
    %eq3A_91 = arith.cmpf oeq, %floor3A_26, %eq3A_90 : vector<10x100xf32>
    %and3A_92 = arith.andi %eq3A_88, %eq3A_91 : vector<10x100xi1>
    %convert_element_type3A_93 = arith.extui %and3A_92 : vector<10x100xi1> to vector<10x100xi32>
    %convert_element_type3A_94 = arith.sitofp %convert_element_type3A_93 : vector<10x100xi32> to vector<10x100xf32>
    %get3A_95 = arith.constant 0 : index
    %get3A_96 = arith.constant 3 : index
    %get3A_97 = arith.constant 0 : index
    %get3A_98 = vector.load %arg0[%get3A_95, %get3A_96, %get3A_97] : memref<512x10x10xf32, #tpu.memory_space<vmem>>, vector<512x1x10xf32>
    %get3A_99 = vector.shape_cast %get3A_98 : vector<512x1x10xf32> to vector<512x10xf32>
    %dot_general3A_100 = arith.constant dense<0.000000e+00> : vector<512x100xf32>
    %dot_general3A_101 = tpu.matmul %get3A_99, %convert_element_type3A_94, %dot_general3A_100 {dimension_numbers = #tpu.dot_dimension_numbers<[1], [0], [0], [1], [0, 0, 1, 1], [], []>, precision = #tpu.contract_precision<fp32>, transpose_lhs_hint = false} : vector<512x10xf32>, vector<10x100xf32>, vector<512x100xf32> -> vector<512x100xf32>
    %add3A_102 = arith.addf %add3A_81, %dot_general3A_101 : vector<512x100xf32>
    %get3A_103 = arith.constant 3 : index
    %get3A_104 = arith.constant 0 : index
    %get3A_105 = vector.load %arg2[%get3A_103, %get3A_104] : memref<10x10xf32, #tpu.memory_space<vmem>>, vector<1x10xf32>
    %dot_general3A_106 = arith.constant dense<0.000000e+00> : vector<1x100xf32>
    %dot_general3A_107 = tpu.matmul %get3A_105, %convert_element_type3A_94, %dot_general3A_106 {dimension_numbers = #tpu.dot_dimension_numbers<[1], [0], [0], [1], [0, 0, 1, 1], [], []>, precision = #tpu.contract_precision<fp32>, transpose_lhs_hint = false} : vector<1x10xf32>, vector<10x100xf32>, vector<1x100xf32> -> vector<1x100xf32>
    %add3A_108 = arith.addf %add3A_87, %dot_general3A_107 : vector<1x100xf32>
    %eq3A_109 = arith.cmpf oeq, %convert_element_type3A_12, %sub3A_22 : vector<10x100xf32>
    %eq3A_110 = arith.constant 4.000000e+00 : f32
    %eq3A_111 = vector.broadcast %eq3A_110 : f32 to vector<10x100xf32>
    %eq3A_112 = arith.cmpf oeq, %floor3A_26, %eq3A_111 : vector<10x100xf32>
    %and3A_113 = arith.andi %eq3A_109, %eq3A_112 : vector<10x100xi1>
    %convert_element_type3A_114 = arith.extui %and3A_113 : vector<10x100xi1> to vector<10x100xi32>
    %convert_element_type3A_115 = arith.sitofp %convert_element_type3A_114 : vector<10x100xi32> to vector<10x100xf32>
    %get3A_116 = arith.constant 0 : index
    %get3A_117 = arith.constant 4 : index
    %get3A_118 = arith.constant 0 : index
    %get3A_119 = vector.load %arg0[%get3A_116, %get3A_117, %get3A_118] : memref<512x10x10xf32, #tpu.memory_space<vmem>>, vector<512x1x10xf32>
    %get3A_120 = vector.shape_cast %get3A_119 : vector<512x1x10xf32> to vector<512x10xf32>
    %dot_general3A_121 = arith.constant dense<0.000000e+00> : vector<512x100xf32>
    %dot_general3A_122 = tpu.matmul %get3A_120, %convert_element_type3A_115, %dot_general3A_121 {dimension_numbers = #tpu.dot_dimension_numbers<[1], [0], [0], [1], [0, 0, 1, 1], [], []>, precision = #tpu.contract_precision<fp32>, transpose_lhs_hint = false} : vector<512x10xf32>, vector<10x100xf32>, vector<512x100xf32> -> vector<512x100xf32>
    %add3A_123 = arith.addf %add3A_102, %dot_general3A_122 : vector<512x100xf32>
    %get3A_124 = arith.constant 4 : index
    %get3A_125 = arith.constant 0 : index
    %get3A_126 = vector.load %arg2[%get3A_124, %get3A_125] : memref<10x10xf32, #tpu.memory_space<vmem>>, vector<1x10xf32>
    %dot_general3A_127 = arith.constant dense<0.000000e+00> : vector<1x100xf32>
    %dot_general3A_128 = tpu.matmul %get3A_126, %convert_element_type3A_115, %dot_general3A_127 {dimension_numbers = #tpu.dot_dimension_numbers<[1], [0], [0], [1], [0, 0, 1, 1], [], []>, precision = #tpu.contract_precision<fp32>, transpose_lhs_hint = false} : vector<1x10xf32>, vector<10x100xf32>, vector<1x100xf32> -> vector<1x100xf32>
    %add3A_129 = arith.addf %add3A_108, %dot_general3A_128 : vector<1x100xf32>
    %eq3A_130 = arith.cmpf oeq, %convert_element_type3A_12, %sub3A_22 : vector<10x100xf32>
    %eq3A_131 = arith.constant 5.000000e+00 : f32
    %eq3A_132 = vector.broadcast %eq3A_131 : f32 to vector<10x100xf32>
    %eq3A_133 = arith.cmpf oeq, %floor3A_26, %eq3A_132 : vector<10x100xf32>
    %and3A_134 = arith.andi %eq3A_130, %eq3A_133 : vector<10x100xi1>
    %convert_element_type3A_135 = arith.extui %and3A_134 : vector<10x100xi1> to vector<10x100xi32>
    %convert_element_type3A_136 = arith.sitofp %convert_element_type3A_135 : vector<10x100xi32> to vector<10x100xf32>
    %get3A_137 = arith.constant 0 : index
    %get3A_138 = arith.constant 5 : index
    %get3A_139 = arith.constant 0 : index
    %get3A_140 = vector.load %arg0[%get3A_137, %get3A_138, %get3A_139] : memref<512x10x10xf32, #tpu.memory_space<vmem>>, vector<512x1x10xf32>
    %get3A_141 = vector.shape_cast %get3A_140 : vector<512x1x10xf32> to vector<512x10xf32>
    %dot_general3A_142 = arith.constant dense<0.000000e+00> : vector<512x100xf32>
    %dot_general3A_143 = tpu.matmul %get3A_141, %convert_element_type3A_136, %dot_general3A_142 {dimension_numbers = #tpu.dot_dimension_numbers<[1], [0], [0], [1], [0, 0, 1, 1], [], []>, precision = #tpu.contract_precision<fp32>, transpose_lhs_hint = false} : vector<512x10xf32>, vector<10x100xf32>, vector<512x100xf32> -> vector<512x100xf32>
    %add3A_144 = arith.addf %add3A_123, %dot_general3A_143 : vector<512x100xf32>
    %get3A_145 = arith.constant 5 : index
    %get3A_146 = arith.constant 0 : index
    %get3A_147 = vector.load %arg2[%get3A_145, %get3A_146] : memref<10x10xf32, #tpu.memory_space<vmem>>, vector<1x10xf32>
    %dot_general3A_148 = arith.constant dense<0.000000e+00> : vector<1x100xf32>
    %dot_general3A_149 = tpu.matmul %get3A_147, %convert_element_type3A_136, %dot_general3A_148 {dimension_numbers = #tpu.dot_dimension_numbers<[1], [0], [0], [1], [0, 0, 1, 1], [], []>, precision = #tpu.contract_precision<fp32>, transpose_lhs_hint = false} : vector<1x10xf32>, vector<10x100xf32>, vector<1x100xf32> -> vector<1x100xf32>
    %add3A_150 = arith.addf %add3A_129, %dot_general3A_149 : vector<1x100xf32>
    %eq3A_151 = arith.cmpf oeq, %convert_element_type3A_12, %sub3A_22 : vector<10x100xf32>
    %eq3A_152 = arith.constant 6.000000e+00 : f32
    %eq3A_153 = vector.broadcast %eq3A_152 : f32 to vector<10x100xf32>
    %eq3A_154 = arith.cmpf oeq, %floor3A_26, %eq3A_153 : vector<10x100xf32>
    %and3A_155 = arith.andi %eq3A_151, %eq3A_154 : vector<10x100xi1>
    %convert_element_type3A_156 = arith.extui %and3A_155 : vector<10x100xi1> to vector<10x100xi32>
    %convert_element_type3A_157 = arith.sitofp %convert_element_type3A_156 : vector<10x100xi32> to vector<10x100xf32>
    %get3A_158 = arith.constant 0 : index
    %get3A_159 = arith.constant 6 : index
    %get3A_160 = arith.constant 0 : index
    %get3A_161 = vector.load %arg0[%get3A_158, %get3A_159, %get3A_160] : memref<512x10x10xf32, #tpu.memory_space<vmem>>, vector<512x1x10xf32>
    %get3A_162 = vector.shape_cast %get3A_161 : vector<512x1x10xf32> to vector<512x10xf32>
    %dot_general3A_163 = arith.constant dense<0.000000e+00> : vector<512x100xf32>
    %dot_general3A_164 = tpu.matmul %get3A_162, %convert_element_type3A_157, %dot_general3A_163 {dimension_numbers = #tpu.dot_dimension_numbers<[1], [0], [0], [1], [0, 0, 1, 1], [], []>, precision = #tpu.contract_precision<fp32>, transpose_lhs_hint = false} : vector<512x10xf32>, vector<10x100xf32>, vector<512x100xf32> -> vector<512x100xf32>
    %add3A_165 = arith.addf %add3A_144, %dot_general3A_164 : vector<512x100xf32>
    %get3A_166 = arith.constant 6 : index
    %get3A_167 = arith.constant 0 : index
    %get3A_168 = vector.load %arg2[%get3A_166, %get3A_167] : memref<10x10xf32, #tpu.memory_space<vmem>>, vector<1x10xf32>
    %dot_general3A_169 = arith.constant dense<0.000000e+00> : vector<1x100xf32>
    %dot_general3A_170 = tpu.matmul %get3A_168, %convert_element_type3A_157, %dot_general3A_169 {dimension_numbers = #tpu.dot_dimension_numbers<[1], [0], [0], [1], [0, 0, 1, 1], [], []>, precision = #tpu.contract_precision<fp32>, transpose_lhs_hint = false} : vector<1x10xf32>, vector<10x100xf32>, vector<1x100xf32> -> vector<1x100xf32>
    %add3A_171 = arith.addf %add3A_150, %dot_general3A_170 : vector<1x100xf32>
    %eq3A_172 = arith.cmpf oeq, %convert_element_type3A_12, %sub3A_22 : vector<10x100xf32>
    %eq3A_173 = arith.constant 7.000000e+00 : f32
    %eq3A_174 = vector.broadcast %eq3A_173 : f32 to vector<10x100xf32>
    %eq3A_175 = arith.cmpf oeq, %floor3A_26, %eq3A_174 : vector<10x100xf32>
    %and3A_176 = arith.andi %eq3A_172, %eq3A_175 : vector<10x100xi1>
    %convert_element_type3A_177 = arith.extui %and3A_176 : vector<10x100xi1> to vector<10x100xi32>
    %convert_element_type3A_178 = arith.sitofp %convert_element_type3A_177 : vector<10x100xi32> to vector<10x100xf32>
    %get3A_179 = arith.constant 0 : index
    %get3A_180 = arith.constant 7 : index
    %get3A_181 = arith.constant 0 : index
    %get3A_182 = vector.load %arg0[%get3A_179, %get3A_180, %get3A_181] : memref<512x10x10xf32, #tpu.memory_space<vmem>>, vector<512x1x10xf32>
    %get3A_183 = vector.shape_cast %get3A_182 : vector<512x1x10xf32> to vector<512x10xf32>
    %dot_general3A_184 = arith.constant dense<0.000000e+00> : vector<512x100xf32>
    %dot_general3A_185 = tpu.matmul %get3A_183, %convert_element_type3A_178, %dot_general3A_184 {dimension_numbers = #tpu.dot_dimension_numbers<[1], [0], [0], [1], [0, 0, 1, 1], [], []>, precision = #tpu.contract_precision<fp32>, transpose_lhs_hint = false} : vector<512x10xf32>, vector<10x100xf32>, vector<512x100xf32> -> vector<512x100xf32>
    %add3A_186 = arith.addf %add3A_165, %dot_general3A_185 : vector<512x100xf32>
    %get3A_187 = arith.constant 7 : index
    %get3A_188 = arith.constant 0 : index
    %get3A_189 = vector.load %arg2[%get3A_187, %get3A_188] : memref<10x10xf32, #tpu.memory_space<vmem>>, vector<1x10xf32>
    %dot_general3A_190 = arith.constant dense<0.000000e+00> : vector<1x100xf32>
    %dot_general3A_191 = tpu.matmul %get3A_189, %convert_element_type3A_178, %dot_general3A_190 {dimension_numbers = #tpu.dot_dimension_numbers<[1], [0], [0], [1], [0, 0, 1, 1], [], []>, precision = #tpu.contract_precision<fp32>, transpose_lhs_hint = false} : vector<1x10xf32>, vector<10x100xf32>, vector<1x100xf32> -> vector<1x100xf32>
    %add3A_192 = arith.addf %add3A_171, %dot_general3A_191 : vector<1x100xf32>
    %eq3A_193 = arith.cmpf oeq, %convert_element_type3A_12, %sub3A_22 : vector<10x100xf32>
    %eq3A_194 = arith.constant 8.000000e+00 : f32
    %eq3A_195 = vector.broadcast %eq3A_194 : f32 to vector<10x100xf32>
    %eq3A_196 = arith.cmpf oeq, %floor3A_26, %eq3A_195 : vector<10x100xf32>
    %and3A_197 = arith.andi %eq3A_193, %eq3A_196 : vector<10x100xi1>
    %convert_element_type3A_198 = arith.extui %and3A_197 : vector<10x100xi1> to vector<10x100xi32>
    %convert_element_type3A_199 = arith.sitofp %convert_element_type3A_198 : vector<10x100xi32> to vector<10x100xf32>
    %get3A_200 = arith.constant 0 : index
    %get3A_201 = arith.constant 8 : index
    %get3A_202 = arith.constant 0 : index
    %get3A_203 = vector.load %arg0[%get3A_200, %get3A_201, %get3A_202] : memref<512x10x10xf32, #tpu.memory_space<vmem>>, vector<512x1x10xf32>
    %get3A_204 = vector.shape_cast %get3A_203 : vector<512x1x10xf32> to vector<512x10xf32>
    %dot_general3A_205 = arith.constant dense<0.000000e+00> : vector<512x100xf32>
    %dot_general3A_206 = tpu.matmul %get3A_204, %convert_element_type3A_199, %dot_general3A_205 {dimension_numbers = #tpu.dot_dimension_numbers<[1], [0], [0], [1], [0, 0, 1, 1], [], []>, precision = #tpu.contract_precision<fp32>, transpose_lhs_hint = false} : vector<512x10xf32>, vector<10x100xf32>, vector<512x100xf32> -> vector<512x100xf32>
    %add3A_207 = arith.addf %add3A_186, %dot_general3A_206 : vector<512x100xf32>
    %get3A_208 = arith.constant 8 : index
    %get3A_209 = arith.constant 0 : index
    %get3A_210 = vector.load %arg2[%get3A_208, %get3A_209] : memref<10x10xf32, #tpu.memory_space<vmem>>, vector<1x10xf32>
    %dot_general3A_211 = arith.constant dense<0.000000e+00> : vector<1x100xf32>
    %dot_general3A_212 = tpu.matmul %get3A_210, %convert_element_type3A_199, %dot_general3A_211 {dimension_numbers = #tpu.dot_dimension_numbers<[1], [0], [0], [1], [0, 0, 1, 1], [], []>, precision = #tpu.contract_precision<fp32>, transpose_lhs_hint = false} : vector<1x10xf32>, vector<10x100xf32>, vector<1x100xf32> -> vector<1x100xf32>
    %add3A_213 = arith.addf %add3A_192, %dot_general3A_212 : vector<1x100xf32>
    %eq3A_214 = arith.cmpf oeq, %convert_element_type3A_12, %sub3A_22 : vector<10x100xf32>
    %eq3A_215 = arith.constant 9.000000e+00 : f32
    %eq3A_216 = vector.broadcast %eq3A_215 : f32 to vector<10x100xf32>
    %eq3A_217 = arith.cmpf oeq, %floor3A_26, %eq3A_216 : vector<10x100xf32>
    %and3A_218 = arith.andi %eq3A_214, %eq3A_217 : vector<10x100xi1>
    %convert_element_type3A_219 = arith.extui %and3A_218 : vector<10x100xi1> to vector<10x100xi32>
    %convert_element_type3A_220 = arith.sitofp %convert_element_type3A_219 : vector<10x100xi32> to vector<10x100xf32>
    %get3A_221 = arith.constant 0 : index
    %get3A_222 = arith.constant 9 : index
    %get3A_223 = arith.constant 0 : index
    %get3A_224 = vector.load %arg0[%get3A_221, %get3A_222, %get3A_223] : memref<512x10x10xf32, #tpu.memory_space<vmem>>, vector<512x1x10xf32>
    %get3A_225 = vector.shape_cast %get3A_224 : vector<512x1x10xf32> to vector<512x10xf32>
    %dot_general3A_226 = arith.constant dense<0.000000e+00> : vector<512x100xf32>
    %dot_general3A_227 = tpu.matmul %get3A_225, %convert_element_type3A_220, %dot_general3A_226 {dimension_numbers = #tpu.dot_dimension_numbers<[1], [0], [0], [1], [0, 0, 1, 1], [], []>, precision = #tpu.contract_precision<fp32>, transpose_lhs_hint = false} : vector<512x10xf32>, vector<10x100xf32>, vector<512x100xf32> -> vector<512x100xf32>
    %add3A_228 = arith.addf %add3A_207, %dot_general3A_227 : vector<512x100xf32>
    %get3A_229 = arith.constant 9 : index
    %get3A_230 = arith.constant 0 : index
    %get3A_231 = vector.load %arg2[%get3A_229, %get3A_230] : memref<10x10xf32, #tpu.memory_space<vmem>>, vector<1x10xf32>
    %dot_general3A_232 = arith.constant dense<0.000000e+00> : vector<1x100xf32>
    %dot_general3A_233 = tpu.matmul %get3A_231, %convert_element_type3A_220, %dot_general3A_232 {dimension_numbers = #tpu.dot_dimension_numbers<[1], [0], [0], [1], [0, 0, 1, 1], [], []>, precision = #tpu.contract_precision<fp32>, transpose_lhs_hint = false} : vector<1x10xf32>, vector<10x100xf32>, vector<1x100xf32> -> vector<1x100xf32>
    %add3A_234 = arith.addf %add3A_213, %dot_general3A_233 : vector<1x100xf32>
    %eq3A_235 = arith.cmpf oeq, %convert_element_type3A_12, %sub3A_22 : vector<10x100xf32>
    %convert_element_type3A_236 = arith.extui %eq3A_235 : vector<10x100xi1> to vector<10x100xi32>
    %convert_element_type3A_237 = arith.sitofp %convert_element_type3A_236 : vector<10x100xi32> to vector<10x100xf32>
    %get3A_238 = arith.constant 0 : index
    %get3A_239 = arith.constant 0 : index
    %get3A_240 = vector.load %arg3[%get3A_238, %get3A_239] : memref<1x10xf32, #tpu.memory_space<vmem>>, vector<1x10xf32>
    %dot_general3A_241 = arith.constant dense<0.000000e+00> : vector<1x100xf32>
    %dot_general3A_242 = tpu.matmul %get3A_240, %convert_element_type3A_237, %dot_general3A_241 {dimension_numbers = #tpu.dot_dimension_numbers<[1], [0], [0], [1], [0, 0, 1, 1], [], []>, precision = #tpu.contract_precision<fp32>, transpose_lhs_hint = false} : vector<1x10xf32>, vector<10x100xf32>, vector<1x100xf32> -> vector<1x100xf32>
    %get3A_243 = arith.constant 0 : index
    %get3A_244 = arith.constant 0 : index
    %get3A_245 = vector.load %arg4[%get3A_243, %get3A_244] : memref<1x10xf32, #tpu.memory_space<vmem>>, vector<1x10xf32>
    %dot_general3A_246 = arith.constant dense<0.000000e+00> : vector<1x100xf32>
    %dot_general3A_247 = tpu.matmul %get3A_245, %convert_element_type3A_237, %dot_general3A_246 {dimension_numbers = #tpu.dot_dimension_numbers<[1], [0], [0], [1], [0, 0, 1, 1], [], []>, precision = #tpu.contract_precision<fp32>, transpose_lhs_hint = false} : vector<1x10xf32>, vector<10x100xf32>, vector<1x100xf32> -> vector<1x100xf32>
    %get3A_248 = arith.constant 0 : index
    %get3A_249 = arith.constant 0 : index
    %get3A_250 = vector.load %arg5[%get3A_248, %get3A_249] : memref<10x10xf32, #tpu.memory_space<vmem>>, vector<2x10xf32>
    %dot_general3A_251 = arith.constant dense<0.000000e+00> : vector<2x100xf32>
    %dot_general3A_252 = tpu.matmul %get3A_250, %convert_element_type3A_237, %dot_general3A_251 {dimension_numbers = #tpu.dot_dimension_numbers<[1], [0], [0], [1], [0, 0, 1, 1], [], []>, precision = #tpu.contract_precision<fp32>, transpose_lhs_hint = false} : vector<2x10xf32>, vector<10x100xf32>, vector<2x100xf32> -> vector<2x100xf32>
    %get3A_253 = arith.constant 0 : index
    %get3A_254 = arith.constant 0 : index
    %get3A_255 = vector.load %arg6[%get3A_253, %get3A_254] : memref<10x10xf32, #tpu.memory_space<vmem>>, vector<10x10xf32>
    %dot_general3A_256 = arith.constant dense<0.000000e+00> : vector<10x100xf32>
    %dot_general3A_257 = tpu.matmul %get3A_255, %convert_element_type3A_237, %dot_general3A_256 {dimension_numbers = #tpu.dot_dimension_numbers<[1], [0], [0], [1], [0, 0, 1, 1], [], []>, precision = #tpu.contract_precision<fp32>, transpose_lhs_hint = false} : vector<10x10xf32>, vector<10x100xf32>, vector<10x100xf32> -> vector<10x100xf32>
    %iota3A_258 = tpu.iota {dimensions = array<i32: 0>} : vector<100x10xi32>
    %convert_element_type3A_259 = arith.sitofp %iota3A_258 : vector<100x10xi32> to vector<100x10xf32>
    %iota3A_260 = tpu.iota {dimensions = array<i32: 1>} : vector<100x10xi32>
    %convert_element_type3A_261 = arith.sitofp %iota3A_260 : vector<100x10xi32> to vector<100x10xf32>
    %mul3A_262 = arith.constant 1.000000e-01 : f32
    %mul3A_263 = vector.broadcast %mul3A_262 : f32 to vector<100x10xf32>
    %mul3A_264 = arith.mulf %convert_element_type3A_259, %mul3A_263 : vector<100x10xf32>
    %floor3A_265 = math.floor %mul3A_264 : vector<100x10xf32>
    %mul3A_266 = arith.constant 1.000000e+01 : f32
    %mul3A_267 = vector.broadcast %mul3A_266 : f32 to vector<100x10xf32>
    %mul3A_268 = arith.mulf %mul3A_267, %floor3A_265 : vector<100x10xf32>
    %sub3A_269 = arith.subf %convert_element_type3A_259, %mul3A_268 : vector<100x10xf32>
    %mul3A_270 = arith.constant 1.000000e-01 : f32
    %mul3A_271 = vector.broadcast %mul3A_270 : f32 to vector<100x10xf32>
    %mul3A_272 = arith.mulf %convert_element_type3A_259, %mul3A_271 : vector<100x10xf32>
    %floor3A_273 = math.floor %mul3A_272 : vector<100x10xf32>
    %eq3A_274 = arith.cmpf oeq, %convert_element_type3A_261, %sub3A_269 : vector<100x10xf32>
    %convert_element_type3A_275 = arith.extui %eq3A_274 : vector<100x10xi1> to vector<100x10xi32>
    %convert_element_type3A_276 = arith.sitofp %convert_element_type3A_275 : vector<100x10xi32> to vector<100x10xf32>
    %get3A_277 = arith.constant 0 : index
    %get3A_278 = arith.constant 0 : index
    %get3A_279 = vector.load %arg1[%get3A_277, %get3A_278] : memref<10x10xf32, #tpu.memory_space<vmem>>, vector<10x10xf32>
    %dot_general3A_280 = arith.constant dense<0.000000e+00> : vector<100x10xf32>
    %dot_general3A_281 = tpu.matmul %convert_element_type3A_276, %get3A_279, %dot_general3A_280 {dimension_numbers = #tpu.dot_dimension_numbers<[1], [0], [0], [1], [0, 0, 1, 1], [], []>, precision = #tpu.contract_precision<fp32>, transpose_lhs_hint = false} : vector<100x10xf32>, vector<10x10xf32>, vector<100x10xf32> -> vector<100x10xf32>
    %dot_general3A_282 = arith.constant dense<0.000000e+00> : vector<100x100xf32>
    %dot_general3A_283 = tpu.matmul %dot_general3A_281, %convert_element_type3A_237, %dot_general3A_282 {dimension_numbers = #tpu.dot_dimension_numbers<[1], [0], [0], [1], [0, 0, 1, 1], [], []>, precision = #tpu.contract_precision<fp32>, transpose_lhs_hint = false} : vector<100x10xf32>, vector<10x100xf32>, vector<100x100xf32> -> vector<100x100xf32>
    %eq3A_284 = arith.cmpf oeq, %floor3A_10, %floor3A : vector<100x100xf32>
    %jit3A = arith.constant 0.000000e+00 : f32
    %broadcast_in_dim3A_285 = vector.broadcast %jit3A : f32 to vector<100x100xf32>
    %select_n3A = arith.select %eq3A_284, %dot_general3A_283, %broadcast_in_dim3A_285 : vector<100x100xi1>, vector<100x100xf32>
    %mul3A_286 = arith.constant 1.000000e+01 : f32
    %mul3A_287 = vector.broadcast %mul3A_286 : f32 to vector<100x100xf32>
    %mul3A_288 = arith.mulf %sub3A, %mul3A_287 : vector<100x100xf32>
    %add3A_289 = arith.addf %mul3A_288, %floor3A : vector<100x100xf32>
    %eq3A_290 = arith.cmpf oeq, %convert_element_type3A, %add3A_289 : vector<100x100xf32>
    %convert_element_type3A_291 = arith.extui %eq3A_290 : vector<100x100xi1> to vector<100x100xi32>
    %convert_element_type3A_292 = arith.sitofp %convert_element_type3A_291 : vector<100x100xi32> to vector<100x100xf32>
    %dot_general3A_293 = arith.constant dense<0.000000e+00> : vector<512x100xf32>
    %dot_general3A_294 = tpu.matmul %add3A_228, %convert_element_type3A_292, %dot_general3A_293 {dimension_numbers = #tpu.dot_dimension_numbers<[1], [0], [0], [1], [0, 0, 1, 1], [], []>, precision = #tpu.contract_precision<fp32>, transpose_lhs_hint = false} : vector<512x100xf32>, vector<100x100xf32>, vector<512x100xf32> -> vector<512x100xf32>
    %min3A = arith.minimumf %add3A_228, %dot_general3A_294 : vector<512x100xf32>
    %iota3A_295 = tpu.iota {dimensions = array<i32: 0>} : vector<100x16xi32>
    %convert_element_type3A_296 = arith.sitofp %iota3A_295 : vector<100x16xi32> to vector<100x16xf32>
    %iota3A_297 = tpu.iota {dimensions = array<i32: 1>} : vector<100x16xi32>
    %convert_element_type3A_298 = arith.sitofp %iota3A_297 : vector<100x16xi32> to vector<100x16xf32>
    %mul3A_299 = arith.constant 1.000000e-01 : f32
    %mul3A_300 = vector.broadcast %mul3A_299 : f32 to vector<100x16xf32>
    %mul3A_301 = arith.mulf %convert_element_type3A_296, %mul3A_300 : vector<100x16xf32>
    %floor3A_302 = math.floor %mul3A_301 : vector<100x16xf32>
    %mul3A_303 = arith.constant 1.000000e+01 : f32
    %mul3A_304 = vector.broadcast %mul3A_303 : f32 to vector<100x16xf32>
    %mul3A_305 = arith.mulf %mul3A_304, %floor3A_302 : vector<100x16xf32>
    %sub3A_306 = arith.subf %convert_element_type3A_296, %mul3A_305 : vector<100x16xf32>
    %eq3A_307 = arith.cmpf oeq, %sub3A_306, %convert_element_type3A_298 : vector<100x16xf32>
    %convert_element_type3A_308 = arith.extui %eq3A_307 : vector<100x16xi1> to vector<100x16xi32>
    %convert_element_type3A_309 = arith.sitofp %convert_element_type3A_308 : vector<100x16xi32> to vector<100x16xf32>
    %dot_general3A_310 = arith.constant dense<0.000000e+00> : vector<512x16xf32>
    %dot_general3A_311 = tpu.matmul %min3A, %convert_element_type3A_309, %dot_general3A_310 {dimension_numbers = #tpu.dot_dimension_numbers<[1], [0], [0], [1], [0, 0, 1, 1], [], []>, precision = #tpu.contract_precision<fp32>, transpose_lhs_hint = false} : vector<512x100xf32>, vector<100x16xf32>, vector<512x16xf32> -> vector<512x16xf32>
    %swap3A = arith.constant 0 : index
    %swap3A_312 = arith.constant 0 : index
    %swap3A_313 = vector.load %arg8[%swap3A, %swap3A_312] : memref<512x16xf32, #tpu.memory_space<vmem>>, vector<512x16xf32>
    tpu.vector_store %arg8[%swap3A, %swap3A_312], %dot_general3A_311 {strides = array<i32>} : memref<512x16xf32, #tpu.memory_space<vmem>>, vector<512x16xf32>,
    %dot_general3A_314 = arith.constant dense<0.000000e+00> : vector<512x100xf32>
    %dot_general3A_315 = tpu.matmul %min3A, %select_n3A, %dot_general3A_314 {dimension_numbers = #tpu.dot_dimension_numbers<[1], [0], [0], [1], [0, 0, 1, 1], [], []>, precision = #tpu.contract_precision<fp32>, transpose_lhs_hint = false} : vector<512x100xf32>, vector<100x100xf32>, vector<512x100xf32> -> vector<512x100xf32>
    %add3A_316 = vector.broadcast %add3A_234 : vector<1x100xf32> to vector<512x100xf32>
    %add3A_317 = arith.addf %dot_general3A_315, %add3A_316 : vector<512x100xf32>
    %sub3A_318 = vector.broadcast %dot_general3A_242 : vector<1x100xf32> to vector<512x100xf32>
    %sub3A_319 = arith.subf %add3A_317, %sub3A_318 : vector<512x100xf32>
    %div3A = vector.broadcast %dot_general3A_247 : vector<1x100xf32> to vector<512x100xf32>
    %div3A_320 = arith.divf %sub3A_319, %div3A : vector<512x100xf32>
    %integer_pow3A = arith.mulf %div3A_320, %div3A_320 : vector<512x100xf32>
    %mul3A_321 = arith.constant -5.000000e-01 : f32
    %mul3A_322 = vector.broadcast %mul3A_321 : f32 to vector<512x100xf32>
    %mul3A_323 = arith.mulf %mul3A_322, %integer_pow3A : vector<512x100xf32>
    %exp3A = math.exp %mul3A_323 : vector<512x100xf32>
    %mul3A_324 = arith.constant 2.50662732 : f32
    %mul3A_325 = vector.broadcast %mul3A_324 : f32 to vector<1x100xf32>
    %mul3A_326 = arith.mulf %mul3A_325, %dot_general3A_247 : vector<1x100xf32>
    %div3A_327 = vector.broadcast %mul3A_326 : vector<1x100xf32> to vector<512x100xf32>
    %div3A_328 = arith.divf %exp3A, %div3A_327 : vector<512x100xf32>
    %logistic3A = arith.negf %div3A_328 : vector<512x100xf32>
    %logistic3A_329 = math.exp %logistic3A : vector<512x100xf32>
    %logistic3A_330 = arith.constant 1.000000e+00 : f32
    %logistic3A_331 = vector.broadcast %logistic3A_330 : f32 to vector<512x100xf32>
    %logistic3A_332 = arith.addf %logistic3A_331, %logistic3A_329 : vector<512x100xf32>
    %logistic3A_333 = arith.divf %logistic3A_331, %logistic3A_332 : vector<512x100xf32>
    %tanh3A = math.tanh %logistic3A_333 : vector<512x100xf32>
    %broadcast_in_dim3A_334 = arith.constant 0.000000e+00 : f32
    %broadcast_in_dim3A_335 = vector.broadcast %broadcast_in_dim3A_334 : f32 to vector<512x100xf32>
    %mul3A_336 = arith.constant 1.000000e+01 : f32
    %mul3A_337 = vector.broadcast %mul3A_336 : f32 to vector<100x100xf32>
    %mul3A_338 = arith.mulf %floor3A, %mul3A_337 : vector<100x100xf32>
    %add3A_339 = arith.constant 0.000000e+00 : f32
    %add3A_340 = vector.broadcast %add3A_339 : f32 to vector<100x100xf32>
    %add3A_341 = arith.addf %mul3A_338, %add3A_340 : vector<100x100xf32>
    %eq3A_342 = arith.cmpf oeq, %convert_element_type3A, %add3A_341 : vector<100x100xf32>
    %convert_element_type3A_343 = arith.extui %eq3A_342 : vector<100x100xi1> to vector<100x100xi32>
    %convert_element_type3A_344 = arith.sitofp %convert_element_type3A_343 : vector<100x100xi32> to vector<100x100xf32>
    %add3A_345 = arith.constant 0.000000e+00 : f32
    %add3A_346 = vector.broadcast %add3A_345 : f32 to vector<100x100xf32>
    %add3A_347 = arith.addf %add3A_346, %sub3A : vector<100x100xf32>
    %eq3A_348 = arith.cmpf oeq, %convert_element_type3A, %add3A_347 : vector<100x100xf32>
    %convert_element_type3A_349 = arith.extui %eq3A_348 : vector<100x100xi1> to vector<100x100xi32>
    %convert_element_type3A_350 = arith.sitofp %convert_element_type3A_349 : vector<100x100xi32> to vector<100x100xf32>
    %add3A_351 = arith.addf %convert_element_type3A_344, %convert_element_type3A_350 : vector<100x100xf32>
    %dot_general3A_352 = arith.constant dense<0.000000e+00> : vector<512x100xf32>
    %dot_general3A_353 = tpu.matmul %min3A, %add3A_351, %dot_general3A_352 {dimension_numbers = #tpu.dot_dimension_numbers<[1], [0], [0], [1], [0, 0, 1, 1], [], []>, precision = #tpu.contract_precision<fp32>, transpose_lhs_hint = false} : vector<512x100xf32>, vector<100x100xf32>, vector<512x100xf32> -> vector<512x100xf32>
    %min3A_354 = arith.minimumf %min3A, %dot_general3A_353 : vector<512x100xf32>
    %eq3A_355 = arith.cmpf oeq, %min3A_354, %min3A : vector<512x100xf32>
    %jit3A_356 = arith.constant 0.000000e+00 : f32
    %jit3A_357 = arith.constant 1.000000e+00 : f32
    %broadcast_in_dim3A_358 = vector.broadcast %jit3A_356 : f32 to vector<512x100xf32>
    %broadcast_in_dim3A_359 = vector.broadcast %jit3A_357 : f32 to vector<512x100xf32>
    %select_n3A_360 = arith.select %eq3A_355, %broadcast_in_dim3A_358, %broadcast_in_dim3A_359 : vector<512x100xi1>, vector<512x100xf32>
    %mul3A_361 = arith.mulf %select_n3A_360, %tanh3A : vector<512x100xf32>
    %add3A_362 = arith.addf %broadcast_in_dim3A_335, %mul3A_361 : vector<512x100xf32>
    %mul3A_363 = arith.constant 1.000000e+01 : f32
    %mul3A_364 = vector.broadcast %mul3A_363 : f32 to vector<100x100xf32>
    %mul3A_365 = arith.mulf %floor3A, %mul3A_364 : vector<100x100xf32>
    %add3A_366 = arith.constant 1.000000e+00 : f32
    %add3A_367 = vector.broadcast %add3A_366 : f32 to vector<100x100xf32>
    %add3A_368 = arith.addf %mul3A_365, %add3A_367 : vector<100x100xf32>
    %eq3A_369 = arith.cmpf oeq, %convert_element_type3A, %add3A_368 : vector<100x100xf32>
    %convert_element_type3A_370 = arith.extui %eq3A_369 : vector<100x100xi1> to vector<100x100xi32>
    %convert_element_type3A_371 = arith.sitofp %convert_element_type3A_370 : vector<100x100xi32> to vector<100x100xf32>
    %add3A_372 = arith.constant 1.000000e+01 : f32
    %add3A_373 = vector.broadcast %add3A_372 : f32 to vector<100x100xf32>
    %add3A_374 = arith.addf %add3A_373, %sub3A : vector<100x100xf32>
    %eq3A_375 = arith.cmpf oeq, %convert_element_type3A, %add3A_374 : vector<100x100xf32>
    %convert_element_type3A_376 = arith.extui %eq3A_375 : vector<100x100xi1> to vector<100x100xi32>
    %convert_element_type3A_377 = arith.sitofp %convert_element_type3A_376 : vector<100x100xi32> to vector<100x100xf32>
    %add3A_378 = arith.addf %convert_element_type3A_371, %convert_element_type3A_377 : vector<100x100xf32>
    %dot_general3A_379 = arith.constant dense<0.000000e+00> : vector<512x100xf32>
    %dot_general3A_380 = tpu.matmul %min3A_354, %add3A_378, %dot_general3A_379 {dimension_numbers = #tpu.dot_dimension_numbers<[1], [0], [0], [1], [0, 0, 1, 1], [], []>, precision = #tpu.contract_precision<fp32>, transpose_lhs_hint = false} : vector<512x100xf32>, vector<100x100xf32>, vector<512x100xf32> -> vector<512x100xf32>
    %min3A_381 = arith.minimumf %min3A_354, %dot_general3A_380 : vector<512x100xf32>
    %eq3A_382 = arith.cmpf oeq, %min3A_381, %min3A_354 : vector<512x100xf32>
    %jit3A_383 = arith.constant 0.000000e+00 : f32
    %jit3A_384 = arith.constant 1.000000e+00 : f32
    %broadcast_in_dim3A_385 = vector.broadcast %jit3A_383 : f32 to vector<512x100xf32>
    %broadcast_in_dim3A_386 = vector.broadcast %jit3A_384 : f32 to vector<512x100xf32>
    %select_n3A_387 = arith.select %eq3A_382, %broadcast_in_dim3A_385, %broadcast_in_dim3A_386 : vector<512x100xi1>, vector<512x100xf32>
    %mul3A_388 = arith.mulf %select_n3A_387, %tanh3A : vector<512x100xf32>
    %add3A_389 = arith.addf %add3A_362, %mul3A_388 : vector<512x100xf32>
    %mul3A_390 = arith.constant 1.000000e+01 : f32
    %mul3A_391 = vector.broadcast %mul3A_390 : f32 to vector<100x100xf32>
    %mul3A_392 = arith.mulf %floor3A, %mul3A_391 : vector<100x100xf32>
    %add3A_393 = arith.constant 2.000000e+00 : f32
    %add3A_394 = vector.broadcast %add3A_393 : f32 to vector<100x100xf32>
    %add3A_395 = arith.addf %mul3A_392, %add3A_394 : vector<100x100xf32>
    %eq3A_396 = arith.cmpf oeq, %convert_element_type3A, %add3A_395 : vector<100x100xf32>
    %convert_element_type3A_397 = arith.extui %eq3A_396 : vector<100x100xi1> to vector<100x100xi32>
    %convert_element_type3A_398 = arith.sitofp %convert_element_type3A_397 : vector<100x100xi32> to vector<100x100xf32>
    %add3A_399 = arith.constant 2.000000e+01 : f32
    %add3A_400 = vector.broadcast %add3A_399 : f32 to vector<100x100xf32>
    %add3A_401 = arith.addf %add3A_400, %sub3A : vector<100x100xf32>
    %eq3A_402 = arith.cmpf oeq, %convert_element_type3A, %add3A_401 : vector<100x100xf32>
    %convert_element_type3A_403 = arith.extui %eq3A_402 : vector<100x100xi1> to vector<100x100xi32>
    %convert_element_type3A_404 = arith.sitofp %convert_element_type3A_403 : vector<100x100xi32> to vector<100x100xf32>
    %add3A_405 = arith.addf %convert_element_type3A_398, %convert_element_type3A_404 : vector<100x100xf32>
    %dot_general3A_406 = arith.constant dense<0.000000e+00> : vector<512x100xf32>
    %dot_general3A_407 = tpu.matmul %min3A_381, %add3A_405, %dot_general3A_406 {dimension_numbers = #tpu.dot_dimension_numbers<[1], [0], [0], [1], [0, 0, 1, 1], [], []>, precision = #tpu.contract_precision<fp32>, transpose_lhs_hint = false} : vector<512x100xf32>, vector<100x100xf32>, vector<512x100xf32> -> vector<512x100xf32>
    %min3A_408 = arith.minimumf %min3A_381, %dot_general3A_407 : vector<512x100xf32>
    %eq3A_409 = arith.cmpf oeq, %min3A_408, %min3A_381 : vector<512x100xf32>
    %jit3A_410 = arith.constant 0.000000e+00 : f32
    %jit3A_411 = arith.constant 1.000000e+00 : f32
    %broadcast_in_dim3A_412 = vector.broadcast %jit3A_410 : f32 to vector<512x100xf32>
    %broadcast_in_dim3A_413 = vector.broadcast %jit3A_411 : f32 to vector<512x100xf32>
    %select_n3A_414 = arith.select %eq3A_409, %broadcast_in_dim3A_412, %broadcast_in_dim3A_413 : vector<512x100xi1>, vector<512x100xf32>
    %mul3A_415 = arith.mulf %select_n3A_414, %tanh3A : vector<512x100xf32>
    %add3A_416 = arith.addf %add3A_389, %mul3A_415 : vector<512x100xf32>
    %mul3A_417 = arith.constant 1.000000e+01 : f32
    %mul3A_418 = vector.broadcast %mul3A_417 : f32 to vector<100x100xf32>
    %mul3A_419 = arith.mulf %floor3A, %mul3A_418 : vector<100x100xf32>
    %add3A_420 = arith.constant 3.000000e+00 : f32
    %add3A_421 = vector.broadcast %add3A_420 : f32 to vector<100x100xf32>
    %add3A_422 = arith.addf %mul3A_419, %add3A_421 : vector<100x100xf32>
    %eq3A_423 = arith.cmpf oeq, %convert_element_type3A, %add3A_422 : vector<100x100xf32>
    %convert_element_type3A_424 = arith.extui %eq3A_423 : vector<100x100xi1> to vector<100x100xi32>
    %convert_element_type3A_425 = arith.sitofp %convert_element_type3A_424 : vector<100x100xi32> to vector<100x100xf32>
    %add3A_426 = arith.constant 3.000000e+01 : f32
    %add3A_427 = vector.broadcast %add3A_426 : f32 to vector<100x100xf32>
    %add3A_428 = arith.addf %add3A_427, %sub3A : vector<100x100xf32>
    %eq3A_429 = arith.cmpf oeq, %convert_element_type3A, %add3A_428 : vector<100x100xf32>
    %convert_element_type3A_430 = arith.extui %eq3A_429 : vector<100x100xi1> to vector<100x100xi32>
    %convert_element_type3A_431 = arith.sitofp %convert_element_type3A_430 : vector<100x100xi32> to vector<100x100xf32>
    %add3A_432 = arith.addf %convert_element_type3A_425, %convert_element_type3A_431 : vector<100x100xf32>
    %dot_general3A_433 = arith.constant dense<0.000000e+00> : vector<512x100xf32>
    %dot_general3A_434 = tpu.matmul %min3A_408, %add3A_432, %dot_general3A_433 {dimension_numbers = #tpu.dot_dimension_numbers<[1], [0], [0], [1], [0, 0, 1, 1], [], []>, precision = #tpu.contract_precision<fp32>, transpose_lhs_hint = false} : vector<512x100xf32>, vector<100x100xf32>, vector<512x100xf32> -> vector<512x100xf32>
    %min3A_435 = arith.minimumf %min3A_408, %dot_general3A_434 : vector<512x100xf32>
    %eq3A_436 = arith.cmpf oeq, %min3A_435, %min3A_408 : vector<512x100xf32>
    %jit3A_437 = arith.constant 0.000000e+00 : f32
    %jit3A_438 = arith.constant 1.000000e+00 : f32
    %broadcast_in_dim3A_439 = vector.broadcast %jit3A_437 : f32 to vector<512x100xf32>
    %broadcast_in_dim3A_440 = vector.broadcast %jit3A_438 : f32 to vector<512x100xf32>
    %select_n3A_441 = arith.select %eq3A_436, %broadcast_in_dim3A_439, %broadcast_in_dim3A_440 : vector<512x100xi1>, vector<512x100xf32>
    %mul3A_442 = arith.mulf %select_n3A_441, %tanh3A : vector<512x100xf32>
    %add3A_443 = arith.addf %add3A_416, %mul3A_442 : vector<512x100xf32>
    %mul3A_444 = arith.constant 1.000000e+01 : f32
    %mul3A_445 = vector.broadcast %mul3A_444 : f32 to vector<100x100xf32>
    %mul3A_446 = arith.mulf %floor3A, %mul3A_445 : vector<100x100xf32>
    %add3A_447 = arith.constant 4.000000e+00 : f32
    %add3A_448 = vector.broadcast %add3A_447 : f32 to vector<100x100xf32>
    %add3A_449 = arith.addf %mul3A_446, %add3A_448 : vector<100x100xf32>
    %eq3A_450 = arith.cmpf oeq, %convert_element_type3A, %add3A_449 : vector<100x100xf32>
    %convert_element_type3A_451 = arith.extui %eq3A_450 : vector<100x100xi1> to vector<100x100xi32>
    %convert_element_type3A_452 = arith.sitofp %convert_element_type3A_451 : vector<100x100xi32> to vector<100x100xf32>
    %add3A_453 = arith.constant 4.000000e+01 : f32
    %add3A_454 = vector.broadcast %add3A_453 : f32 to vector<100x100xf32>
    %add3A_455 = arith.addf %add3A_454, %sub3A : vector<100x100xf32>
    %eq3A_456 = arith.cmpf oeq, %convert_element_type3A, %add3A_455 : vector<100x100xf32>
    %convert_element_type3A_457 = arith.extui %eq3A_456 : vector<100x100xi1> to vector<100x100xi32>
    %convert_element_type3A_458 = arith.sitofp %convert_element_type3A_457 : vector<100x100xi32> to vector<100x100xf32>
    %add3A_459 = arith.addf %convert_element_type3A_452, %convert_element_type3A_458 : vector<100x100xf32>
    %dot_general3A_460 = arith.constant dense<0.000000e+00> : vector<512x100xf32>
    %dot_general3A_461 = tpu.matmul %min3A_435, %add3A_459, %dot_general3A_460 {dimension_numbers = #tpu.dot_dimension_numbers<[1], [0], [0], [1], [0, 0, 1, 1], [], []>, precision = #tpu.contract_precision<fp32>, transpose_lhs_hint = false} : vector<512x100xf32>, vector<100x100xf32>, vector<512x100xf32> -> vector<512x100xf32>
    %min3A_462 = arith.minimumf %min3A_435, %dot_general3A_461 : vector<512x100xf32>
    %eq3A_463 = arith.cmpf oeq, %min3A_462, %min3A_435 : vector<512x100xf32>
    %jit3A_464 = arith.constant 0.000000e+00 : f32
    %jit3A_465 = arith.constant 1.000000e+00 : f32
    %broadcast_in_dim3A_466 = vector.broadcast %jit3A_464 : f32 to vector<512x100xf32>
    %broadcast_in_dim3A_467 = vector.broadcast %jit3A_465 : f32 to vector<512x100xf32>
    %select_n3A_468 = arith.select %eq3A_463, %broadcast_in_dim3A_466, %broadcast_in_dim3A_467 : vector<512x100xi1>, vector<512x100xf32>
    %mul3A_469 = arith.mulf %select_n3A_468, %tanh3A : vector<512x100xf32>
    %add3A_470 = arith.addf %add3A_443, %mul3A_469 : vector<512x100xf32>
    %mul3A_471 = arith.constant 1.000000e+01 : f32
    %mul3A_472 = vector.broadcast %mul3A_471 : f32 to vector<100x100xf32>
    %mul3A_473 = arith.mulf %floor3A, %mul3A_472 : vector<100x100xf32>
    %add3A_474 = arith.constant 5.000000e+00 : f32
    %add3A_475 = vector.broadcast %add3A_474 : f32 to vector<100x100xf32>
    %add3A_476 = arith.addf %mul3A_473, %add3A_475 : vector<100x100xf32>
    %eq3A_477 = arith.cmpf oeq, %convert_element_type3A, %add3A_476 : vector<100x100xf32>
    %convert_element_type3A_478 = arith.extui %eq3A_477 : vector<100x100xi1> to vector<100x100xi32>
    %convert_element_type3A_479 = arith.sitofp %convert_element_type3A_478 : vector<100x100xi32> to vector<100x100xf32>
    %add3A_480 = arith.constant 5.000000e+01 : f32
    %add3A_481 = vector.broadcast %add3A_480 : f32 to vector<100x100xf32>
    %add3A_482 = arith.addf %add3A_481, %sub3A : vector<100x100xf32>
    %eq3A_483 = arith.cmpf oeq, %convert_element_type3A, %add3A_482 : vector<100x100xf32>
    %convert_element_type3A_484 = arith.extui %eq3A_483 : vector<100x100xi1> to vector<100x100xi32>
    %convert_element_type3A_485 = arith.sitofp %convert_element_type3A_484 : vector<100x100xi32> to vector<100x100xf32>
    %add3A_486 = arith.addf %convert_element_type3A_479, %convert_element_type3A_485 : vector<100x100xf32>
    %dot_general3A_487 = arith.constant dense<0.000000e+00> : vector<512x100xf32>
    %dot_general3A_488 = tpu.matmul %min3A_462, %add3A_486, %dot_general3A_487 {dimension_numbers = #tpu.dot_dimension_numbers<[1], [0], [0], [1], [0, 0, 1, 1], [], []>, precision = #tpu.contract_precision<fp32>, transpose_lhs_hint = false} : vector<512x100xf32>, vector<100x100xf32>, vector<512x100xf32> -> vector<512x100xf32>
    %min3A_489 = arith.minimumf %min3A_462, %dot_general3A_488 : vector<512x100xf32>
    %eq3A_490 = arith.cmpf oeq, %min3A_489, %min3A_462 : vector<512x100xf32>
    %jit3A_491 = arith.constant 0.000000e+00 : f32
    %jit3A_492 = arith.constant 1.000000e+00 : f32
    %broadcast_in_dim3A_493 = vector.broadcast %jit3A_491 : f32 to vector<512x100xf32>
    %broadcast_in_dim3A_494 = vector.broadcast %jit3A_492 : f32 to vector<512x100xf32>
    %select_n3A_495 = arith.select %eq3A_490, %broadcast_in_dim3A_493, %broadcast_in_dim3A_494 : vector<512x100xi1>, vector<512x100xf32>
    %mul3A_496 = arith.mulf %select_n3A_495, %tanh3A : vector<512x100xf32>
    %add3A_497 = arith.addf %add3A_470, %mul3A_496 : vector<512x100xf32>
    %mul3A_498 = arith.constant 1.000000e+01 : f32
    %mul3A_499 = vector.broadcast %mul3A_498 : f32 to vector<100x100xf32>
    %mul3A_500 = arith.mulf %floor3A, %mul3A_499 : vector<100x100xf32>
    %add3A_501 = arith.constant 6.000000e+00 : f32
    %add3A_502 = vector.broadcast %add3A_501 : f32 to vector<100x100xf32>
    %add3A_503 = arith.addf %mul3A_500, %add3A_502 : vector<100x100xf32>
    %eq3A_504 = arith.cmpf oeq, %convert_element_type3A, %add3A_503 : vector<100x100xf32>
    %convert_element_type3A_505 = arith.extui %eq3A_504 : vector<100x100xi1> to vector<100x100xi32>
    %convert_element_type3A_506 = arith.sitofp %convert_element_type3A_505 : vector<100x100xi32> to vector<100x100xf32>
    %add3A_507 = arith.constant 6.000000e+01 : f32
    %add3A_508 = vector.broadcast %add3A_507 : f32 to vector<100x100xf32>
    %add3A_509 = arith.addf %add3A_508, %sub3A : vector<100x100xf32>
    %eq3A_510 = arith.cmpf oeq, %convert_element_type3A, %add3A_509 : vector<100x100xf32>
    %convert_element_type3A_511 = arith.extui %eq3A_510 : vector<100x100xi1> to vector<100x100xi32>
    %convert_element_type3A_512 = arith.sitofp %convert_element_type3A_511 : vector<100x100xi32> to vector<100x100xf32>
    %add3A_513 = arith.addf %convert_element_type3A_506, %convert_element_type3A_512 : vector<100x100xf32>
    %dot_general3A_514 = arith.constant dense<0.000000e+00> : vector<512x100xf32>
    %dot_general3A_515 = tpu.matmul %min3A_489, %add3A_513, %dot_general3A_514 {dimension_numbers = #tpu.dot_dimension_numbers<[1], [0], [0], [1], [0, 0, 1, 1], [], []>, precision = #tpu.contract_precision<fp32>, transpose_lhs_hint = false} : vector<512x100xf32>, vector<100x100xf32>, vector<512x100xf32> -> vector<512x100xf32>
    %min3A_516 = arith.minimumf %min3A_489, %dot_general3A_515 : vector<512x100xf32>
    %eq3A_517 = arith.cmpf oeq, %min3A_516, %min3A_489 : vector<512x100xf32>
    %jit3A_518 = arith.constant 0.000000e+00 : f32
    %jit3A_519 = arith.constant 1.000000e+00 : f32
    %broadcast_in_dim3A_520 = vector.broadcast %jit3A_518 : f32 to vector<512x100xf32>
    %broadcast_in_dim3A_521 = vector.broadcast %jit3A_519 : f32 to vector<512x100xf32>
    %select_n3A_522 = arith.select %eq3A_517, %broadcast_in_dim3A_520, %broadcast_in_dim3A_521 : vector<512x100xi1>, vector<512x100xf32>
    %mul3A_523 = arith.mulf %select_n3A_522, %tanh3A : vector<512x100xf32>
    %add3A_524 = arith.addf %add3A_497, %mul3A_523 : vector<512x100xf32>
    %mul3A_525 = arith.constant 1.000000e+01 : f32
    %mul3A_526 = vector.broadcast %mul3A_525 : f32 to vector<100x100xf32>
    %mul3A_527 = arith.mulf %floor3A, %mul3A_526 : vector<100x100xf32>
    %add3A_528 = arith.constant 7.000000e+00 : f32
    %add3A_529 = vector.broadcast %add3A_528 : f32 to vector<100x100xf32>
    %add3A_530 = arith.addf %mul3A_527, %add3A_529 : vector<100x100xf32>
    %eq3A_531 = arith.cmpf oeq, %convert_element_type3A, %add3A_530 : vector<100x100xf32>
    %convert_element_type3A_532 = arith.extui %eq3A_531 : vector<100x100xi1> to vector<100x100xi32>
    %convert_element_type3A_533 = arith.sitofp %convert_element_type3A_532 : vector<100x100xi32> to vector<100x100xf32>
    %add3A_534 = arith.constant 7.000000e+01 : f32
    %add3A_535 = vector.broadcast %add3A_534 : f32 to vector<100x100xf32>
    %add3A_536 = arith.addf %add3A_535, %sub3A : vector<100x100xf32>
    %eq3A_537 = arith.cmpf oeq, %convert_element_type3A, %add3A_536 : vector<100x100xf32>
    %convert_element_type3A_538 = arith.extui %eq3A_537 : vector<100x100xi1> to vector<100x100xi32>
    %convert_element_type3A_539 = arith.sitofp %convert_element_type3A_538 : vector<100x100xi32> to vector<100x100xf32>
    %add3A_540 = arith.addf %convert_element_type3A_533, %convert_element_type3A_539 : vector<100x100xf32>
    %dot_general3A_541 = arith.constant dense<0.000000e+00> : vector<512x100xf32>
    %dot_general3A_542 = tpu.matmul %min3A_516, %add3A_540, %dot_general3A_541 {dimension_numbers = #tpu.dot_dimension_numbers<[1], [0], [0], [1], [0, 0, 1, 1], [], []>, precision = #tpu.contract_precision<fp32>, transpose_lhs_hint = false} : vector<512x100xf32>, vector<100x100xf32>, vector<512x100xf32> -> vector<512x100xf32>
    %min3A_543 = arith.minimumf %min3A_516, %dot_general3A_542 : vector<512x100xf32>
    %eq3A_544 = arith.cmpf oeq, %min3A_543, %min3A_516 : vector<512x100xf32>
    %jit3A_545 = arith.constant 0.000000e+00 : f32
    %jit3A_546 = arith.constant 1.000000e+00 : f32
    %broadcast_in_dim3A_547 = vector.broadcast %jit3A_545 : f32 to vector<512x100xf32>
    %broadcast_in_dim3A_548 = vector.broadcast %jit3A_546 : f32 to vector<512x100xf32>
    %select_n3A_549 = arith.select %eq3A_544, %broadcast_in_dim3A_547, %broadcast_in_dim3A_548 : vector<512x100xi1>, vector<512x100xf32>
    %mul3A_550 = arith.mulf %select_n3A_549, %tanh3A : vector<512x100xf32>
    %add3A_551 = arith.addf %add3A_524, %mul3A_550 : vector<512x100xf32>
    %mul3A_552 = arith.constant 1.000000e+01 : f32
    %mul3A_553 = vector.broadcast %mul3A_552 : f32 to vector<100x100xf32>
    %mul3A_554 = arith.mulf %floor3A, %mul3A_553 : vector<100x100xf32>
    %add3A_555 = arith.constant 8.000000e+00 : f32
    %add3A_556 = vector.broadcast %add3A_555 : f32 to vector<100x100xf32>
    %add3A_557 = arith.addf %mul3A_554, %add3A_556 : vector<100x100xf32>
    %eq3A_558 = arith.cmpf oeq, %convert_element_type3A, %add3A_557 : vector<100x100xf32>
    %convert_element_type3A_559 = arith.extui %eq3A_558 : vector<100x100xi1> to vector<100x100xi32>
    %convert_element_type3A_560 = arith.sitofp %convert_element_type3A_559 : vector<100x100xi32> to vector<100x100xf32>
    %add3A_561 = arith.constant 8.000000e+01 : f32
    %add3A_562 = vector.broadcast %add3A_561 : f32 to vector<100x100xf32>
    %add3A_563 = arith.addf %add3A_562, %sub3A : vector<100x100xf32>
    %eq3A_564 = arith.cmpf oeq, %convert_element_type3A, %add3A_563 : vector<100x100xf32>
    %convert_element_type3A_565 = arith.extui %eq3A_564 : vector<100x100xi1> to vector<100x100xi32>
    %convert_element_type3A_566 = arith.sitofp %convert_element_type3A_565 : vector<100x100xi32> to vector<100x100xf32>
    %add3A_567 = arith.addf %convert_element_type3A_560, %convert_element_type3A_566 : vector<100x100xf32>
    %dot_general3A_568 = arith.constant dense<0.000000e+00> : vector<512x100xf32>
    %dot_general3A_569 = tpu.matmul %min3A_543, %add3A_567, %dot_general3A_568 {dimension_numbers = #tpu.dot_dimension_numbers<[1], [0], [0], [1], [0, 0, 1, 1], [], []>, precision = #tpu.contract_precision<fp32>, transpose_lhs_hint = false} : vector<512x100xf32>, vector<100x100xf32>, vector<512x100xf32> -> vector<512x100xf32>
    %min3A_570 = arith.minimumf %min3A_543, %dot_general3A_569 : vector<512x100xf32>
    %eq3A_571 = arith.cmpf oeq, %min3A_570, %min3A_543 : vector<512x100xf32>
    %jit3A_572 = arith.constant 0.000000e+00 : f32
    %jit3A_573 = arith.constant 1.000000e+00 : f32
    %broadcast_in_dim3A_574 = vector.broadcast %jit3A_572 : f32 to vector<512x100xf32>
    %broadcast_in_dim3A_575 = vector.broadcast %jit3A_573 : f32 to vector<512x100xf32>
    %select_n3A_576 = arith.select %eq3A_571, %broadcast_in_dim3A_574, %broadcast_in_dim3A_575 : vector<512x100xi1>, vector<512x100xf32>
    %mul3A_577 = arith.mulf %select_n3A_576, %tanh3A : vector<512x100xf32>
    %add3A_578 = arith.addf %add3A_551, %mul3A_577 : vector<512x100xf32>
    %mul3A_579 = arith.constant 1.000000e+01 : f32
    %mul3A_580 = vector.broadcast %mul3A_579 : f32 to vector<100x100xf32>
    %mul3A_581 = arith.mulf %floor3A, %mul3A_580 : vector<100x100xf32>
    %add3A_582 = arith.constant 9.000000e+00 : f32
    %add3A_583 = vector.broadcast %add3A_582 : f32 to vector<100x100xf32>
    %add3A_584 = arith.addf %mul3A_581, %add3A_583 : vector<100x100xf32>
    %eq3A_585 = arith.cmpf oeq, %convert_element_type3A, %add3A_584 : vector<100x100xf32>
    %convert_element_type3A_586 = arith.extui %eq3A_585 : vector<100x100xi1> to vector<100x100xi32>
    %convert_element_type3A_587 = arith.sitofp %convert_element_type3A_586 : vector<100x100xi32> to vector<100x100xf32>
    %add3A_588 = arith.constant 9.000000e+01 : f32
    %add3A_589 = vector.broadcast %add3A_588 : f32 to vector<100x100xf32>
    %add3A_590 = arith.addf %add3A_589, %sub3A : vector<100x100xf32>
    %eq3A_591 = arith.cmpf oeq, %convert_element_type3A, %add3A_590 : vector<100x100xf32>
    %convert_element_type3A_592 = arith.extui %eq3A_591 : vector<100x100xi1> to vector<100x100xi32>
    %convert_element_type3A_593 = arith.sitofp %convert_element_type3A_592 : vector<100x100xi32> to vector<100x100xf32>
    %add3A_594 = arith.addf %convert_element_type3A_587, %convert_element_type3A_593 : vector<100x100xf32>
    %dot_general3A_595 = arith.constant dense<0.000000e+00> : vector<512x100xf32>
    %dot_general3A_596 = tpu.matmul %min3A_570, %add3A_594, %dot_general3A_595 {dimension_numbers = #tpu.dot_dimension_numbers<[1], [0], [0], [1], [0, 0, 1, 1], [], []>, precision = #tpu.contract_precision<fp32>, transpose_lhs_hint = false} : vector<512x100xf32>, vector<100x100xf32>, vector<512x100xf32> -> vector<512x100xf32>
    %min3A_597 = arith.minimumf %min3A_570, %dot_general3A_596 : vector<512x100xf32>
    %eq3A_598 = arith.cmpf oeq, %min3A_597, %min3A_570 : vector<512x100xf32>
    %jit3A_599 = arith.constant 0.000000e+00 : f32
    %jit3A_600 = arith.constant 1.000000e+00 : f32
    %broadcast_in_dim3A_601 = vector.broadcast %jit3A_599 : f32 to vector<512x100xf32>
    %broadcast_in_dim3A_602 = vector.broadcast %jit3A_600 : f32 to vector<512x100xf32>
    %select_n3A_603 = arith.select %eq3A_598, %broadcast_in_dim3A_601, %broadcast_in_dim3A_602 : vector<512x100xi1>, vector<512x100xf32>
    %mul3A_604 = arith.mulf %select_n3A_603, %tanh3A : vector<512x100xf32>
    %add3A_605 = arith.addf %add3A_578, %mul3A_604 : vector<512x100xf32>
    %eq3A_606 = arith.cmpf oeq, %floor3A_10, %floor3A : vector<100x100xf32>
    %convert_element_type3A_607 = arith.extui %eq3A_606 : vector<100x100xi1> to vector<100x100xi32>
    %convert_element_type3A_608 = arith.sitofp %convert_element_type3A_607 : vector<100x100xi32> to vector<100x100xf32>
    %dot_general3A_609 = arith.constant dense<0.000000e+00> : vector<512x100xf32>
    %dot_general3A_610 = tpu.matmul %min3A_597, %convert_element_type3A_608, %dot_general3A_609 {dimension_numbers = #tpu.dot_dimension_numbers<[1], [0], [0], [1], [0, 0, 1, 1], [], []>, precision = #tpu.contract_precision<fp32>, transpose_lhs_hint = false} : vector<512x100xf32>, vector<100x100xf32>, vector<512x100xf32> -> vector<512x100xf32>
    %sub3A_611 = arith.constant 1.000000e+01 : f32
    %sub3A_612 = vector.broadcast %sub3A_611 : f32 to vector<512x100xf32>
    %sub3A_613 = arith.subf %sub3A_612, %dot_general3A_610 : vector<512x100xf32>
    %slice3A = vector.extract_strided_slice %dot_general3A_252 {offsets = [0, 0], sizes = [1, 100], strides = [1, 1]} : vector<2x100xf32> to vector<1x100xf32>
    %mul3A_614 = vector.broadcast %slice3A : vector<1x100xf32> to vector<512x100xf32>
    %mul3A_615 = arith.mulf %sub3A_613, %mul3A_614 : vector<512x100xf32>
    %slice3A_616 = vector.extract_strided_slice %dot_general3A_252 {offsets = [1, 0], sizes = [1, 100], strides = [1, 1]} : vector<2x100xf32> to vector<1x100xf32>
    %mul3A_617 = vector.broadcast %slice3A_616 : vector<1x100xf32> to vector<512x100xf32>
    %mul3A_618 = arith.mulf %dot_general3A_610, %mul3A_617 : vector<512x100xf32>
    %add3A_619 = arith.addf %mul3A_615, %mul3A_618 : vector<512x100xf32>
    %floor3A_620 = math.floor %add3A_605 : vector<512x100xf32>
    %broadcast_in_dim3A_621 = arith.constant 0.000000e+00 : f32
    %broadcast_in_dim3A_622 = vector.broadcast %broadcast_in_dim3A_621 : f32 to vector<512x100xf32>
    %eq3A_623 = arith.constant 0.000000e+00 : f32
    %eq3A_624 = vector.broadcast %eq3A_623 : f32 to vector<512x100xf32>
    %eq3A_625 = arith.cmpf oeq, %floor3A_620, %eq3A_624 : vector<512x100xf32>
    %convert_element_type3A_626 = arith.extui %eq3A_625 : vector<512x100xi1> to vector<512x100xi32>
    %convert_element_type3A_627 = arith.sitofp %convert_element_type3A_626 : vector<512x100xi32> to vector<512x100xf32>
    %dot_general3A_628 = arith.constant dense<0.000000e+00> : vector<512x100xf32>
    %dot_general3A_629 = tpu.matmul %convert_element_type3A_627, %convert_element_type3A_608, %dot_general3A_628 {dimension_numbers = #tpu.dot_dimension_numbers<[1], [0], [0], [1], [0, 0, 1, 1], [], []>, precision = #tpu.contract_precision<fp32>, transpose_lhs_hint = false} : vector<512x100xf32>, vector<100x100xf32>, vector<512x100xf32> -> vector<512x100xf32>
    %slice3A_630 = vector.extract_strided_slice %dot_general3A_257 {offsets = [0, 0], sizes = [1, 100], strides = [1, 1]} : vector<10x100xf32> to vector<1x100xf32>
    %mul3A_631 = vector.broadcast %slice3A_630 : vector<1x100xf32> to vector<512x100xf32>
    %mul3A_632 = arith.mulf %dot_general3A_629, %mul3A_631 : vector<512x100xf32>
    %add3A_633 = arith.addf %broadcast_in_dim3A_622, %mul3A_632 : vector<512x100xf32>
    %eq3A_634 = arith.constant 1.000000e+00 : f32
    %eq3A_635 = vector.broadcast %eq3A_634 : f32 to vector<512x100xf32>
    %eq3A_636 = arith.cmpf oeq, %floor3A_620, %eq3A_635 : vector<512x100xf32>
    %convert_element_type3A_637 = arith.extui %eq3A_636 : vector<512x100xi1> to vector<512x100xi32>
    %convert_element_type3A_638 = arith.sitofp %convert_element_type3A_637 : vector<512x100xi32> to vector<512x100xf32>
    %dot_general3A_639 = arith.constant dense<0.000000e+00> : vector<512x100xf32>
    %dot_general3A_640 = tpu.matmul %convert_element_type3A_638, %convert_element_type3A_608, %dot_general3A_639 {dimension_numbers = #tpu.dot_dimension_numbers<[1], [0], [0], [1], [0, 0, 1, 1], [], []>, precision = #tpu.contract_precision<fp32>, transpose_lhs_hint = false} : vector<512x100xf32>, vector<100x100xf32>, vector<512x100xf32> -> vector<512x100xf32>
    %slice3A_641 = vector.extract_strided_slice %dot_general3A_257 {offsets = [1, 0], sizes = [1, 100], strides = [1, 1]} : vector<10x100xf32> to vector<1x100xf32>
    %mul3A_642 = vector.broadcast %slice3A_641 : vector<1x100xf32> to vector<512x100xf32>
    %mul3A_643 = arith.mulf %dot_general3A_640, %mul3A_642 : vector<512x100xf32>
    %add3A_644 = arith.addf %add3A_633, %mul3A_643 : vector<512x100xf32>
    %eq3A_645 = arith.constant 2.000000e+00 : f32
    %eq3A_646 = vector.broadcast %eq3A_645 : f32 to vector<512x100xf32>
    %eq3A_647 = arith.cmpf oeq, %floor3A_620, %eq3A_646 : vector<512x100xf32>
    %convert_element_type3A_648 = arith.extui %eq3A_647 : vector<512x100xi1> to vector<512x100xi32>
    %convert_element_type3A_649 = arith.sitofp %convert_element_type3A_648 : vector<512x100xi32> to vector<512x100xf32>
    %dot_general3A_650 = arith.constant dense<0.000000e+00> : vector<512x100xf32>
    %dot_general3A_651 = tpu.matmul %convert_element_type3A_649, %convert_element_type3A_608, %dot_general3A_650 {dimension_numbers = #tpu.dot_dimension_numbers<[1], [0], [0], [1], [0, 0, 1, 1], [], []>, precision = #tpu.contract_precision<fp32>, transpose_lhs_hint = false} : vector<512x100xf32>, vector<100x100xf32>, vector<512x100xf32> -> vector<512x100xf32>
    %slice3A_652 = vector.extract_strided_slice %dot_general3A_257 {offsets = [2, 0], sizes = [1, 100], strides = [1, 1]} : vector<10x100xf32> to vector<1x100xf32>
    %mul3A_653 = vector.broadcast %slice3A_652 : vector<1x100xf32> to vector<512x100xf32>
    %mul3A_654 = arith.mulf %dot_general3A_651, %mul3A_653 : vector<512x100xf32>
    %add3A_655 = arith.addf %add3A_644, %mul3A_654 : vector<512x100xf32>
    %eq3A_656 = arith.constant 3.000000e+00 : f32
    %eq3A_657 = vector.broadcast %eq3A_656 : f32 to vector<512x100xf32>
    %eq3A_658 = arith.cmpf oeq, %floor3A_620, %eq3A_657 : vector<512x100xf32>
    %convert_element_type3A_659 = arith.extui %eq3A_658 : vector<512x100xi1> to vector<512x100xi32>
    %convert_element_type3A_660 = arith.sitofp %convert_element_type3A_659 : vector<512x100xi32> to vector<512x100xf32>
    %dot_general3A_661 = arith.constant dense<0.000000e+00> : vector<512x100xf32>
    %dot_general3A_662 = tpu.matmul %convert_element_type3A_660, %convert_element_type3A_608, %dot_general3A_661 {dimension_numbers = #tpu.dot_dimension_numbers<[1], [0], [0], [1], [0, 0, 1, 1], [], []>, precision = #tpu.contract_precision<fp32>, transpose_lhs_hint = false} : vector<512x100xf32>, vector<100x100xf32>, vector<512x100xf32> -> vector<512x100xf32>
    %slice3A_663 = vector.extract_strided_slice %dot_general3A_257 {offsets = [3, 0], sizes = [1, 100], strides = [1, 1]} : vector<10x100xf32> to vector<1x100xf32>
    %mul3A_664 = vector.broadcast %slice3A_663 : vector<1x100xf32> to vector<512x100xf32>
    %mul3A_665 = arith.mulf %dot_general3A_662, %mul3A_664 : vector<512x100xf32>
    %add3A_666 = arith.addf %add3A_655, %mul3A_665 : vector<512x100xf32>
    %eq3A_667 = arith.constant 4.000000e+00 : f32
    %eq3A_668 = vector.broadcast %eq3A_667 : f32 to vector<512x100xf32>
    %eq3A_669 = arith.cmpf oeq, %floor3A_620, %eq3A_668 : vector<512x100xf32>
    %convert_element_type3A_670 = arith.extui %eq3A_669 : vector<512x100xi1> to vector<512x100xi32>
    %convert_element_type3A_671 = arith.sitofp %convert_element_type3A_670 : vector<512x100xi32> to vector<512x100xf32>
    %dot_general3A_672 = arith.constant dense<0.000000e+00> : vector<512x100xf32>
    %dot_general3A_673 = tpu.matmul %convert_element_type3A_671, %convert_element_type3A_608, %dot_general3A_672 {dimension_numbers = #tpu.dot_dimension_numbers<[1], [0], [0], [1], [0, 0, 1, 1], [], []>, precision = #tpu.contract_precision<fp32>, transpose_lhs_hint = false} : vector<512x100xf32>, vector<100x100xf32>, vector<512x100xf32> -> vector<512x100xf32>
    %slice3A_674 = vector.extract_strided_slice %dot_general3A_257 {offsets = [4, 0], sizes = [1, 100], strides = [1, 1]} : vector<10x100xf32> to vector<1x100xf32>
    %mul3A_675 = vector.broadcast %slice3A_674 : vector<1x100xf32> to vector<512x100xf32>
    %mul3A_676 = arith.mulf %dot_general3A_673, %mul3A_675 : vector<512x100xf32>
    %add3A_677 = arith.addf %add3A_666, %mul3A_676 : vector<512x100xf32>
    %eq3A_678 = arith.constant 5.000000e+00 : f32
    %eq3A_679 = vector.broadcast %eq3A_678 : f32 to vector<512x100xf32>
    %eq3A_680 = arith.cmpf oeq, %floor3A_620, %eq3A_679 : vector<512x100xf32>
    %convert_element_type3A_681 = arith.extui %eq3A_680 : vector<512x100xi1> to vector<512x100xi32>
    %convert_element_type3A_682 = arith.sitofp %convert_element_type3A_681 : vector<512x100xi32> to vector<512x100xf32>
    %dot_general3A_683 = arith.constant dense<0.000000e+00> : vector<512x100xf32>
    %dot_general3A_684 = tpu.matmul %convert_element_type3A_682, %convert_element_type3A_608, %dot_general3A_683 {dimension_numbers = #tpu.dot_dimension_numbers<[1], [0], [0], [1], [0, 0, 1, 1], [], []>, precision = #tpu.contract_precision<fp32>, transpose_lhs_hint = false} : vector<512x100xf32>, vector<100x100xf32>, vector<512x100xf32> -> vector<512x100xf32>
    %slice3A_685 = vector.extract_strided_slice %dot_general3A_257 {offsets = [5, 0], sizes = [1, 100], strides = [1, 1]} : vector<10x100xf32> to vector<1x100xf32>
    %mul3A_686 = vector.broadcast %slice3A_685 : vector<1x100xf32> to vector<512x100xf32>
    %mul3A_687 = arith.mulf %dot_general3A_684, %mul3A_686 : vector<512x100xf32>
    %add3A_688 = arith.addf %add3A_677, %mul3A_687 : vector<512x100xf32>
    %eq3A_689 = arith.constant 6.000000e+00 : f32
    %eq3A_690 = vector.broadcast %eq3A_689 : f32 to vector<512x100xf32>
    %eq3A_691 = arith.cmpf oeq, %floor3A_620, %eq3A_690 : vector<512x100xf32>
    %convert_element_type3A_692 = arith.extui %eq3A_691 : vector<512x100xi1> to vector<512x100xi32>
    %convert_element_type3A_693 = arith.sitofp %convert_element_type3A_692 : vector<512x100xi32> to vector<512x100xf32>
    %dot_general3A_694 = arith.constant dense<0.000000e+00> : vector<512x100xf32>
    %dot_general3A_695 = tpu.matmul %convert_element_type3A_693, %convert_element_type3A_608, %dot_general3A_694 {dimension_numbers = #tpu.dot_dimension_numbers<[1], [0], [0], [1], [0, 0, 1, 1], [], []>, precision = #tpu.contract_precision<fp32>, transpose_lhs_hint = false} : vector<512x100xf32>, vector<100x100xf32>, vector<512x100xf32> -> vector<512x100xf32>
    %slice3A_696 = vector.extract_strided_slice %dot_general3A_257 {offsets = [6, 0], sizes = [1, 100], strides = [1, 1]} : vector<10x100xf32> to vector<1x100xf32>
    %mul3A_697 = vector.broadcast %slice3A_696 : vector<1x100xf32> to vector<512x100xf32>
    %mul3A_698 = arith.mulf %dot_general3A_695, %mul3A_697 : vector<512x100xf32>
    %add3A_699 = arith.addf %add3A_688, %mul3A_698 : vector<512x100xf32>
    %eq3A_700 = arith.constant 7.000000e+00 : f32
    %eq3A_701 = vector.broadcast %eq3A_700 : f32 to vector<512x100xf32>
    %eq3A_702 = arith.cmpf oeq, %floor3A_620, %eq3A_701 : vector<512x100xf32>
    %convert_element_type3A_703 = arith.extui %eq3A_702 : vector<512x100xi1> to vector<512x100xi32>
    %convert_element_type3A_704 = arith.sitofp %convert_element_type3A_703 : vector<512x100xi32> to vector<512x100xf32>
    %dot_general3A_705 = arith.constant dense<0.000000e+00> : vector<512x100xf32>
    %dot_general3A_706 = tpu.matmul %convert_element_type3A_704, %convert_element_type3A_608, %dot_general3A_705 {dimension_numbers = #tpu.dot_dimension_numbers<[1], [0], [0], [1], [0, 0, 1, 1], [], []>, precision = #tpu.contract_precision<fp32>, transpose_lhs_hint = false} : vector<512x100xf32>, vector<100x100xf32>, vector<512x100xf32> -> vector<512x100xf32>
    %slice3A_707 = vector.extract_strided_slice %dot_general3A_257 {offsets = [7, 0], sizes = [1, 100], strides = [1, 1]} : vector<10x100xf32> to vector<1x100xf32>
    %mul3A_708 = vector.broadcast %slice3A_707 : vector<1x100xf32> to vector<512x100xf32>
    %mul3A_709 = arith.mulf %dot_general3A_706, %mul3A_708 : vector<512x100xf32>
    %add3A_710 = arith.addf %add3A_699, %mul3A_709 : vector<512x100xf32>
    %eq3A_711 = arith.constant 8.000000e+00 : f32
    %eq3A_712 = vector.broadcast %eq3A_711 : f32 to vector<512x100xf32>
    %eq3A_713 = arith.cmpf oeq, %floor3A_620, %eq3A_712 : vector<512x100xf32>
    %convert_element_type3A_714 = arith.extui %eq3A_713 : vector<512x100xi1> to vector<512x100xi32>
    %convert_element_type3A_715 = arith.sitofp %convert_element_type3A_714 : vector<512x100xi32> to vector<512x100xf32>
    %dot_general3A_716 = arith.constant dense<0.000000e+00> : vector<512x100xf32>
    %dot_general3A_717 = tpu.matmul %convert_element_type3A_715, %convert_element_type3A_608, %dot_general3A_716 {dimension_numbers = #tpu.dot_dimension_numbers<[1], [0], [0], [1], [0, 0, 1, 1], [], []>, precision = #tpu.contract_precision<fp32>, transpose_lhs_hint = false} : vector<512x100xf32>, vector<100x100xf32>, vector<512x100xf32> -> vector<512x100xf32>
    %slice3A_718 = vector.extract_strided_slice %dot_general3A_257 {offsets = [8, 0], sizes = [1, 100], strides = [1, 1]} : vector<10x100xf32> to vector<1x100xf32>
    %mul3A_719 = vector.broadcast %slice3A_718 : vector<1x100xf32> to vector<512x100xf32>
    %mul3A_720 = arith.mulf %dot_general3A_717, %mul3A_719 : vector<512x100xf32>
    %add3A_721 = arith.addf %add3A_710, %mul3A_720 : vector<512x100xf32>
    %eq3A_722 = arith.constant 9.000000e+00 : f32
    %eq3A_723 = vector.broadcast %eq3A_722 : f32 to vector<512x100xf32>
    %eq3A_724 = arith.cmpf oeq, %floor3A_620, %eq3A_723 : vector<512x100xf32>
    %convert_element_type3A_725 = arith.extui %eq3A_724 : vector<512x100xi1> to vector<512x100xi32>
    %convert_element_type3A_726 = arith.sitofp %convert_element_type3A_725 : vector<512x100xi32> to vector<512x100xf32>
    %dot_general3A_727 = arith.constant dense<0.000000e+00> : vector<512x100xf32>
    %dot_general3A_728 = tpu.matmul %convert_element_type3A_726, %convert_element_type3A_608, %dot_general3A_727 {dimension_numbers = #tpu.dot_dimension_numbers<[1], [0], [0], [1], [0, 0, 1, 1], [], []>, precision = #tpu.contract_precision<fp32>, transpose_lhs_hint = false} : vector<512x100xf32>, vector<100x100xf32>, vector<512x100xf32> -> vector<512x100xf32>
    %slice3A_729 = vector.extract_strided_slice %dot_general3A_257 {offsets = [9, 0], sizes = [1, 100], strides = [1, 1]} : vector<10x100xf32> to vector<1x100xf32>
    %mul3A_730 = vector.broadcast %slice3A_729 : vector<1x100xf32> to vector<512x100xf32>
    %mul3A_731 = arith.mulf %dot_general3A_728, %mul3A_730 : vector<512x100xf32>
    %add3A_732 = arith.addf %add3A_721, %mul3A_731 : vector<512x100xf32>
    %add3A_733 = arith.addf %add3A_619, %add3A_732 : vector<512x100xf32>
    %eq3A_734 = arith.cmpf oeq, %convert_element_type3A_261, %sub3A_269 : vector<100x10xf32>
    %eq3A_735 = arith.constant 0.000000e+00 : f32
    %eq3A_736 = vector.broadcast %eq3A_735 : f32 to vector<100x10xf32>
    %eq3A_737 = arith.cmpf oeq, %floor3A_273, %eq3A_736 : vector<100x10xf32>
    %and3A_738 = arith.andi %eq3A_734, %eq3A_737 : vector<100x10xi1>
    %convert_element_type3A_739 = arith.extui %and3A_738 : vector<100x10xi1> to vector<100x10xi32>
    %convert_element_type3A_740 = arith.sitofp %convert_element_type3A_739 : vector<100x10xi32> to vector<100x10xf32>
    %dot_general3A_741 = arith.constant dense<0.000000e+00> : vector<512x10xf32>
    %dot_general3A_742 = tpu.matmul %add3A_733, %convert_element_type3A_740, %dot_general3A_741 {dimension_numbers = #tpu.dot_dimension_numbers<[1], [0], [0], [1], [0, 0, 1, 1], [], []>, precision = #tpu.contract_precision<fp32>, transpose_lhs_hint = false} : vector<512x100xf32>, vector<100x10xf32>, vector<512x10xf32> -> vector<512x10xf32>
    %swap3A_743 = arith.constant 0 : index
    %swap3A_744 = arith.constant 0 : index
    %swap3A_745 = arith.constant 0 : index
    %swap3A_746 = vector.load %arg7[%swap3A_743, %swap3A_744, %swap3A_745] : memref<512x10x10xf32, #tpu.memory_space<vmem>>, vector<512x1x10xf32>
    %swap3A_747 = vector.shape_cast %swap3A_746 : vector<512x1x10xf32> to vector<512x10xf32>
    %swap3A_748 = vector.shape_cast %dot_general3A_742 : vector<512x10xf32> to vector<512x1x10xf32>
    tpu.vector_store %arg7[%swap3A_743, %swap3A_744, %swap3A_745], %swap3A_748 {strides = array<i32>} : memref<512x10x10xf32, #tpu.memory_space<vmem>>, vector<512x1x10xf32>,
    %eq3A_749 = arith.cmpf oeq, %convert_element_type3A_261, %sub3A_269 : vector<100x10xf32>
    %eq3A_750 = arith.constant 1.000000e+00 : f32
    %eq3A_751 = vector.broadcast %eq3A_750 : f32 to vector<100x10xf32>
    %eq3A_752 = arith.cmpf oeq, %floor3A_273, %eq3A_751 : vector<100x10xf32>
    %and3A_753 = arith.andi %eq3A_749, %eq3A_752 : vector<100x10xi1>
    %convert_element_type3A_754 = arith.extui %and3A_753 : vector<100x10xi1> to vector<100x10xi32>
    %convert_element_type3A_755 = arith.sitofp %convert_element_type3A_754 : vector<100x10xi32> to vector<100x10xf32>
    %dot_general3A_756 = arith.constant dense<0.000000e+00> : vector<512x10xf32>
    %dot_general3A_757 = tpu.matmul %add3A_733, %convert_element_type3A_755, %dot_general3A_756 {dimension_numbers = #tpu.dot_dimension_numbers<[1], [0], [0], [1], [0, 0, 1, 1], [], []>, precision = #tpu.contract_precision<fp32>, transpose_lhs_hint = false} : vector<512x100xf32>, vector<100x10xf32>, vector<512x10xf32> -> vector<512x10xf32>
    %swap3A_758 = arith.constant 0 : index
    %swap3A_759 = arith.constant 1 : index
    %swap3A_760 = arith.constant 0 : index
    %swap3A_761 = vector.load %arg7[%swap3A_758, %swap3A_759, %swap3A_760] : memref<512x10x10xf32, #tpu.memory_space<vmem>>, vector<512x1x10xf32>
    %swap3A_762 = vector.shape_cast %swap3A_761 : vector<512x1x10xf32> to vector<512x10xf32>
    %swap3A_763 = vector.shape_cast %dot_general3A_757 : vector<512x10xf32> to vector<512x1x10xf32>
    tpu.vector_store %arg7[%swap3A_758, %swap3A_759, %swap3A_760], %swap3A_763 {strides = array<i32>} : memref<512x10x10xf32, #tpu.memory_space<vmem>>, vector<512x1x10xf32>,
    %eq3A_764 = arith.cmpf oeq, %convert_element_type3A_261, %sub3A_269 : vector<100x10xf32>
    %eq3A_765 = arith.constant 2.000000e+00 : f32
    %eq3A_766 = vector.broadcast %eq3A_765 : f32 to vector<100x10xf32>
    %eq3A_767 = arith.cmpf oeq, %floor3A_273, %eq3A_766 : vector<100x10xf32>
    %and3A_768 = arith.andi %eq3A_764, %eq3A_767 : vector<100x10xi1>
    %convert_element_type3A_769 = arith.extui %and3A_768 : vector<100x10xi1> to vector<100x10xi32>
    %convert_element_type3A_770 = arith.sitofp %convert_element_type3A_769 : vector<100x10xi32> to vector<100x10xf32>
    %dot_general3A_771 = arith.constant dense<0.000000e+00> : vector<512x10xf32>
    %dot_general3A_772 = tpu.matmul %add3A_733, %convert_element_type3A_770, %dot_general3A_771 {dimension_numbers = #tpu.dot_dimension_numbers<[1], [0], [0], [1], [0, 0, 1, 1], [], []>, precision = #tpu.contract_precision<fp32>, transpose_lhs_hint = false} : vector<512x100xf32>, vector<100x10xf32>, vector<512x10xf32> -> vector<512x10xf32>
    %swap3A_773 = arith.constant 0 : index
    %swap3A_774 = arith.constant 2 : index
    %swap3A_775 = arith.constant 0 : index
    %swap3A_776 = vector.load %arg7[%swap3A_773, %swap3A_774, %swap3A_775] : memref<512x10x10xf32, #tpu.memory_space<vmem>>, vector<512x1x10xf32>
    %swap3A_777 = vector.shape_cast %swap3A_776 : vector<512x1x10xf32> to vector<512x10xf32>
    %swap3A_778 = vector.shape_cast %dot_general3A_772 : vector<512x10xf32> to vector<512x1x10xf32>
    tpu.vector_store %arg7[%swap3A_773, %swap3A_774, %swap3A_775], %swap3A_778 {strides = array<i32>} : memref<512x10x10xf32, #tpu.memory_space<vmem>>, vector<512x1x10xf32>,
    %eq3A_779 = arith.cmpf oeq, %convert_element_type3A_261, %sub3A_269 : vector<100x10xf32>
    %eq3A_780 = arith.constant 3.000000e+00 : f32
    %eq3A_781 = vector.broadcast %eq3A_780 : f32 to vector<100x10xf32>
    %eq3A_782 = arith.cmpf oeq, %floor3A_273, %eq3A_781 : vector<100x10xf32>
    %and3A_783 = arith.andi %eq3A_779, %eq3A_782 : vector<100x10xi1>
    %convert_element_type3A_784 = arith.extui %and3A_783 : vector<100x10xi1> to vector<100x10xi32>
    %convert_element_type3A_785 = arith.sitofp %convert_element_type3A_784 : vector<100x10xi32> to vector<100x10xf32>
    %dot_general3A_786 = arith.constant dense<0.000000e+00> : vector<512x10xf32>
    %dot_general3A_787 = tpu.matmul %add3A_733, %convert_element_type3A_785, %dot_general3A_786 {dimension_numbers = #tpu.dot_dimension_numbers<[1], [0], [0], [1], [0, 0, 1, 1], [], []>, precision = #tpu.contract_precision<fp32>, transpose_lhs_hint = false} : vector<512x100xf32>, vector<100x10xf32>, vector<512x10xf32> -> vector<512x10xf32>
    %swap3A_788 = arith.constant 0 : index
    %swap3A_789 = arith.constant 3 : index
    %swap3A_790 = arith.constant 0 : index
    %swap3A_791 = vector.load %arg7[%swap3A_788, %swap3A_789, %swap3A_790] : memref<512x10x10xf32, #tpu.memory_space<vmem>>, vector<512x1x10xf32>
    %swap3A_792 = vector.shape_cast %swap3A_791 : vector<512x1x10xf32> to vector<512x10xf32>
    %swap3A_793 = vector.shape_cast %dot_general3A_787 : vector<512x10xf32> to vector<512x1x10xf32>
    tpu.vector_store %arg7[%swap3A_788, %swap3A_789, %swap3A_790], %swap3A_793 {strides = array<i32>} : memref<512x10x10xf32, #tpu.memory_space<vmem>>, vector<512x1x10xf32>,
    %eq3A_794 = arith.cmpf oeq, %convert_element_type3A_261, %sub3A_269 : vector<100x10xf32>
    %eq3A_795 = arith.constant 4.000000e+00 : f32
    %eq3A_796 = vector.broadcast %eq3A_795 : f32 to vector<100x10xf32>
    %eq3A_797 = arith.cmpf oeq, %floor3A_273, %eq3A_796 : vector<100x10xf32>
    %and3A_798 = arith.andi %eq3A_794, %eq3A_797 : vector<100x10xi1>
    %convert_element_type3A_799 = arith.extui %and3A_798 : vector<100x10xi1> to vector<100x10xi32>
    %convert_element_type3A_800 = arith.sitofp %convert_element_type3A_799 : vector<100x10xi32> to vector<100x10xf32>
    %dot_general3A_801 = arith.constant dense<0.000000e+00> : vector<512x10xf32>
    %dot_general3A_802 = tpu.matmul %add3A_733, %convert_element_type3A_800, %dot_general3A_801 {dimension_numbers = #tpu.dot_dimension_numbers<[1], [0], [0], [1], [0, 0, 1, 1], [], []>, precision = #tpu.contract_precision<fp32>, transpose_lhs_hint = false} : vector<512x100xf32>, vector<100x10xf32>, vector<512x10xf32> -> vector<512x10xf32>
    %swap3A_803 = arith.constant 0 : index
    %swap3A_804 = arith.constant 4 : index
    %swap3A_805 = arith.constant 0 : index
    %swap3A_806 = vector.load %arg7[%swap3A_803, %swap3A_804, %swap3A_805] : memref<512x10x10xf32, #tpu.memory_space<vmem>>, vector<512x1x10xf32>
    %swap3A_807 = vector.shape_cast %swap3A_806 : vector<512x1x10xf32> to vector<512x10xf32>
    %swap3A_808 = vector.shape_cast %dot_general3A_802 : vector<512x10xf32> to vector<512x1x10xf32>
    tpu.vector_store %arg7[%swap3A_803, %swap3A_804, %swap3A_805], %swap3A_808 {strides = array<i32>} : memref<512x10x10xf32, #tpu.memory_space<vmem>>, vector<512x1x10xf32>,
    %eq3A_809 = arith.cmpf oeq, %convert_element_type3A_261, %sub3A_269 : vector<100x10xf32>
    %eq3A_810 = arith.constant 5.000000e+00 : f32
    %eq3A_811 = vector.broadcast %eq3A_810 : f32 to vector<100x10xf32>
    %eq3A_812 = arith.cmpf oeq, %floor3A_273, %eq3A_811 : vector<100x10xf32>
    %and3A_813 = arith.andi %eq3A_809, %eq3A_812 : vector<100x10xi1>
    %convert_element_type3A_814 = arith.extui %and3A_813 : vector<100x10xi1> to vector<100x10xi32>
    %convert_element_type3A_815 = arith.sitofp %convert_element_type3A_814 : vector<100x10xi32> to vector<100x10xf32>
    %dot_general3A_816 = arith.constant dense<0.000000e+00> : vector<512x10xf32>
    %dot_general3A_817 = tpu.matmul %add3A_733, %convert_element_type3A_815, %dot_general3A_816 {dimension_numbers = #tpu.dot_dimension_numbers<[1], [0], [0], [1], [0, 0, 1, 1], [], []>, precision = #tpu.contract_precision<fp32>, transpose_lhs_hint = false} : vector<512x100xf32>, vector<100x10xf32>, vector<512x10xf32> -> vector<512x10xf32>
    %swap3A_818 = arith.constant 0 : index
    %swap3A_819 = arith.constant 5 : index
    %swap3A_820 = arith.constant 0 : index
    %swap3A_821 = vector.load %arg7[%swap3A_818, %swap3A_819, %swap3A_820] : memref<512x10x10xf32, #tpu.memory_space<vmem>>, vector<512x1x10xf32>
    %swap3A_822 = vector.shape_cast %swap3A_821 : vector<512x1x10xf32> to vector<512x10xf32>
    %swap3A_823 = vector.shape_cast %dot_general3A_817 : vector<512x10xf32> to vector<512x1x10xf32>
    tpu.vector_store %arg7[%swap3A_818, %swap3A_819, %swap3A_820], %swap3A_823 {strides = array<i32>} : memref<512x10x10xf32, #tpu.memory_space<vmem>>, vector<512x1x10xf32>,
    %eq3A_824 = arith.cmpf oeq, %convert_element_type3A_261, %sub3A_269 : vector<100x10xf32>
    %eq3A_825 = arith.constant 6.000000e+00 : f32
    %eq3A_826 = vector.broadcast %eq3A_825 : f32 to vector<100x10xf32>
    %eq3A_827 = arith.cmpf oeq, %floor3A_273, %eq3A_826 : vector<100x10xf32>
    %and3A_828 = arith.andi %eq3A_824, %eq3A_827 : vector<100x10xi1>
    %convert_element_type3A_829 = arith.extui %and3A_828 : vector<100x10xi1> to vector<100x10xi32>
    %convert_element_type3A_830 = arith.sitofp %convert_element_type3A_829 : vector<100x10xi32> to vector<100x10xf32>
    %dot_general3A_831 = arith.constant dense<0.000000e+00> : vector<512x10xf32>
    %dot_general3A_832 = tpu.matmul %add3A_733, %convert_element_type3A_830, %dot_general3A_831 {dimension_numbers = #tpu.dot_dimension_numbers<[1], [0], [0], [1], [0, 0, 1, 1], [], []>, precision = #tpu.contract_precision<fp32>, transpose_lhs_hint = false} : vector<512x100xf32>, vector<100x10xf32>, vector<512x10xf32> -> vector<512x10xf32>
    %swap3A_833 = arith.constant 0 : index
    %swap3A_834 = arith.constant 6 : index
    %swap3A_835 = arith.constant 0 : index
    %swap3A_836 = vector.load %arg7[%swap3A_833, %swap3A_834, %swap3A_835] : memref<512x10x10xf32, #tpu.memory_space<vmem>>, vector<512x1x10xf32>
    %swap3A_837 = vector.shape_cast %swap3A_836 : vector<512x1x10xf32> to vector<512x10xf32>
    %swap3A_838 = vector.shape_cast %dot_general3A_832 : vector<512x10xf32> to vector<512x1x10xf32>
    tpu.vector_store %arg7[%swap3A_833, %swap3A_834, %swap3A_835], %swap3A_838 {strides = array<i32>} : memref<512x10x10xf32, #tpu.memory_space<vmem>>, vector<512x1x10xf32>,
    %eq3A_839 = arith.cmpf oeq, %convert_element_type3A_261, %sub3A_269 : vector<100x10xf32>
    %eq3A_840 = arith.constant 7.000000e+00 : f32
    %eq3A_841 = vector.broadcast %eq3A_840 : f32 to vector<100x10xf32>
    %eq3A_842 = arith.cmpf oeq, %floor3A_273, %eq3A_841 : vector<100x10xf32>
    %and3A_843 = arith.andi %eq3A_839, %eq3A_842 : vector<100x10xi1>
    %convert_element_type3A_844 = arith.extui %and3A_843 : vector<100x10xi1> to vector<100x10xi32>
    %convert_element_type3A_845 = arith.sitofp %convert_element_type3A_844 : vector<100x10xi32> to vector<100x10xf32>
    %dot_general3A_846 = arith.constant dense<0.000000e+00> : vector<512x10xf32>
    %dot_general3A_847 = tpu.matmul %add3A_733, %convert_element_type3A_845, %dot_general3A_846 {dimension_numbers = #tpu.dot_dimension_numbers<[1], [0], [0], [1], [0, 0, 1, 1], [], []>, precision = #tpu.contract_precision<fp32>, transpose_lhs_hint = false} : vector<512x100xf32>, vector<100x10xf32>, vector<512x10xf32> -> vector<512x10xf32>
    %swap3A_848 = arith.constant 0 : index
    %swap3A_849 = arith.constant 7 : index
    %swap3A_850 = arith.constant 0 : index
    %swap3A_851 = vector.load %arg7[%swap3A_848, %swap3A_849, %swap3A_850] : memref<512x10x10xf32, #tpu.memory_space<vmem>>, vector<512x1x10xf32>
    %swap3A_852 = vector.shape_cast %swap3A_851 : vector<512x1x10xf32> to vector<512x10xf32>
    %swap3A_853 = vector.shape_cast %dot_general3A_847 : vector<512x10xf32> to vector<512x1x10xf32>
    tpu.vector_store %arg7[%swap3A_848, %swap3A_849, %swap3A_850], %swap3A_853 {strides = array<i32>} : memref<512x10x10xf32, #tpu.memory_space<vmem>>, vector<512x1x10xf32>,
    %eq3A_854 = arith.cmpf oeq, %convert_element_type3A_261, %sub3A_269 : vector<100x10xf32>
    %eq3A_855 = arith.constant 8.000000e+00 : f32
    %eq3A_856 = vector.broadcast %eq3A_855 : f32 to vector<100x10xf32>
    %eq3A_857 = arith.cmpf oeq, %floor3A_273, %eq3A_856 : vector<100x10xf32>
    %and3A_858 = arith.andi %eq3A_854, %eq3A_857 : vector<100x10xi1>
    %convert_element_type3A_859 = arith.extui %and3A_858 : vector<100x10xi1> to vector<100x10xi32>
    %convert_element_type3A_860 = arith.sitofp %convert_element_type3A_859 : vector<100x10xi32> to vector<100x10xf32>
    %dot_general3A_861 = arith.constant dense<0.000000e+00> : vector<512x10xf32>
    %dot_general3A_862 = tpu.matmul %add3A_733, %convert_element_type3A_860, %dot_general3A_861 {dimension_numbers = #tpu.dot_dimension_numbers<[1], [0], [0], [1], [0, 0, 1, 1], [], []>, precision = #tpu.contract_precision<fp32>, transpose_lhs_hint = false} : vector<512x100xf32>, vector<100x10xf32>, vector<512x10xf32> -> vector<512x10xf32>
    %swap3A_863 = arith.constant 0 : index
    %swap3A_864 = arith.constant 8 : index
    %swap3A_865 = arith.constant 0 : index
    %swap3A_866 = vector.load %arg7[%swap3A_863, %swap3A_864, %swap3A_865] : memref<512x10x10xf32, #tpu.memory_space<vmem>>, vector<512x1x10xf32>
    %swap3A_867 = vector.shape_cast %swap3A_866 : vector<512x1x10xf32> to vector<512x10xf32>
    %swap3A_868 = vector.shape_cast %dot_general3A_862 : vector<512x10xf32> to vector<512x1x10xf32>
    tpu.vector_store %arg7[%swap3A_863, %swap3A_864, %swap3A_865], %swap3A_868 {strides = array<i32>} : memref<512x10x10xf32, #tpu.memory_space<vmem>>, vector<512x1x10xf32>,
    %eq3A_869 = arith.cmpf oeq, %convert_element_type3A_261, %sub3A_269 : vector<100x10xf32>
    %eq3A_870 = arith.constant 9.000000e+00 : f32
    %eq3A_871 = vector.broadcast %eq3A_870 : f32 to vector<100x10xf32>
    %eq3A_872 = arith.cmpf oeq, %floor3A_273, %eq3A_871 : vector<100x10xf32>
    %and3A_873 = arith.andi %eq3A_869, %eq3A_872 : vector<100x10xi1>
    %convert_element_type3A_874 = arith.extui %and3A_873 : vector<100x10xi1> to vector<100x10xi32>
    %convert_element_type3A_875 = arith.sitofp %convert_element_type3A_874 : vector<100x10xi32> to vector<100x10xf32>
    %dot_general3A_876 = arith.constant dense<0.000000e+00> : vector<512x10xf32>
    %dot_general3A_877 = tpu.matmul %add3A_733, %convert_element_type3A_875, %dot_general3A_876 {dimension_numbers = #tpu.dot_dimension_numbers<[1], [0], [0], [1], [0, 0, 1, 1], [], []>, precision = #tpu.contract_precision<fp32>, transpose_lhs_hint = false} : vector<512x100xf32>, vector<100x10xf32>, vector<512x10xf32> -> vector<512x10xf32>
    %swap3A_878 = arith.constant 0 : index
    %swap3A_879 = arith.constant 9 : index
    %swap3A_880 = arith.constant 0 : index
    %swap3A_881 = vector.load %arg7[%swap3A_878, %swap3A_879, %swap3A_880] : memref<512x10x10xf32, #tpu.memory_space<vmem>>, vector<512x1x10xf32>
    %swap3A_882 = vector.shape_cast %swap3A_881 : vector<512x1x10xf32> to vector<512x10xf32>
    %swap3A_883 = vector.shape_cast %dot_general3A_877 : vector<512x10xf32> to vector<512x1x10xf32>
    tpu.vector_store %arg7[%swap3A_878, %swap3A_879, %swap3A_880], %swap3A_883 {strides = array<i32>} : memref<512x10x10xf32, #tpu.memory_space<vmem>>, vector<512x1x10xf32>,
    return
  }
}

</mosaic_0001>

<sc_bundles>
// kernel: sparse-core-data-format-call.cloned.1.call-start
scs
called_computation_lowered:
.L_overlay_start_0:
0x0: {  	s2 =	sld [smem:$0x3FD9]  }
0x1: {  	s3 =	sld [smem:$0x3FFE];
	_ =	sdelay $0x1  }
0x2: {  	s1 =	srdreg.scid  }
0x3: {  	s0 =	sand.u32 $0x1, s1  }
0x4: {  	s15 =	sshll.u32 s0, $0xA;
	s2 =	sadd.s32 s3, s2  }
0x5: {  	s2 =	sadd.s32 s2, s15  }
0x6: {  	[smem:$0x3FBE] =	sst s2  }
0x7: {  	_ = 	snop  }
0x8: {  	s2 =	sld [smem:$0x3FD0];
	_ =	sdelay $0x2  }
0x9: {  	s16 =	simm.s32 $0xA;
	s4 =	simm.s32 $0x10  }
0xa: {  	[smem:s4], [sflag:s16] =	dma.local [hbm:s2], $0x1  }
0xb: {  	_ =	swait.eq [sflag:s16], $0x1  }
0xc: {  	[sflag:s16] =	ssyncset.done $0x0  }
0xd: {  	[sflag:s16] =	ssyncadd.s32 $0xFFFFFFFF  }
0xe: {  	s17 =	sld [smem:$0x10];
	(tm) =	ssettm $0x1  }
0xf: {  	s18 =	sld [smem:$0x3FFB];
	_ =	sdelay $0x3  }
0x10: {  	_ =	strace s18  }
0x11: {  	s3 =	sld [smem:$0x3FFC];
	_ =	sdelay $0x3  }
0x12: {  	_ =	strace s3  }
0x13: {  	s3 =	sld [smem:$0x3FFD];
	_ =	sdelay $0x3  }
0x14: {  	_ =	strace s3  }
0x15: {  	_ =	strace $0x8FFFFFFF  }
0x16: {  	s19 =	sld [smem:$0x3FDB];
	_ =	sdelay $0x1  }
0x17: {  	s20 =	simm.s32 $_scs_section_size  }
0x18: {  	s5 =	simm.s32 $_size__tile_overlayer_lowered;
	s6 =	simm.s32 $_tile_overlayer_lowered  }
0x19: {  	s23 =	simm.s32 $0x1BFF;
	s22 =	sshll.u32 s6, $0x1;
	s3 =	sadd.s32 s20, s19  }
0x1a: {  	s7 =	simm.s32 $0x0;
	s21 =	sshll.u32 s5, $0x1;
	s5 =	sadd.s32 s22, s3  }
0x1b: {  	[timem:s7], [sflag:s23] =	dma.local [hbm:s5], s21  }
0x1c: {  	_ =	swait.ge [sflag:s23], s21  }
0x1d: {  	s4 =	ssub.s32 $0x0, s21;
	[sflag:s23] =	ssyncset.done $0x0  }
0x1e: {  	[sflag:s23] =	ssyncadd.s32 s4;
	_ =	sdelay $0x1  }
0x1f: {  	s24 =	simm.s32 $0x1B8B  }
0x20: {  	_ =	swait.ge [sflag:s24], $0x1  }
0x21: {  	[sflag:s24] =	ssyncset.done $0x0  }
0x22: {  	s26 =	simm.s32 $0x1B8E;
	s25 =	sld [smem:$0x3FFE];
	[sflag:s24] =	ssyncadd.s32 $0xFFFFFFFF  }
0x23: {  	s27 =	simm.s32 $execute0_lowered;
	[smem:$0x3FD2] =	sst s26  }
0x24: {  	s5 =	sshll.u32 s27, $0x1;
	_ =	strace $0x80000046;
	[dreg:$0x1] =	wrdreg $0xFFFFFFFF  }
0x25: {  	s28 =	simm.s32 $_size_execute0_lowered;
	s3 =	sadd.s32 s3, s5;
	[dreg:$0x0] =	wrdreg $0x0  }
0x26: {  	s5 =	sshll.u32 s28, $0x1;
	[dreg:$0x2] =	wrdreg s3  }
0x27: {  	[dreg:$0x3] =	wrdreg s5  }
0x28: {  	[dreg:$0x4] =	wrdreg $0xC0  }
0x29: {  	_ =	task [dreg:s7], $0x5FFFF  }
0x2a: {  	[dreg:$0x1] =	wrdreg $0xFFFFFFFF  }
0x2b: {  	[dreg:$0x0] =	wrdreg $0x60  }
0x2c: {  	[dreg:$0x2] =	wrdreg s25  }
0x2d: {  	[dreg:$0x3] =	wrdreg s17  }
0x2e: {  	[dreg:$0x4] =	wrdreg $0x9  }
0x2f: {  	_ =	task.clear_ibuf [dreg:s7], $0x5FFFF;
	_ =	strace $0x90000046  }
0x30: {  	s29 =	simm.s32 $0x9;
	_ =	strace $0x80000048  }
0x31: {  	_ =	swait.ge [sflag:s29], $0x1  }
0x32: {  	[sflag:s29] =	ssyncadd.s32 $0xFFFFFFFF  }
0x33: {  	_ =	strace $0x90000048  }
0x34: {  	_ =	sfence  }
0x35: {  	s30 =	sld [smem:$0x0];
	_ =	sdelay $0x2  }
0x36: {  	s31 =	sshll.u32 s1, $0xD;
	s1 =	sshrl.u32 s1, $0x2  }
0x37: {  	s3 =	sand.u32 $0x4000, s31;
	s1 =	sadd.s32 s1, s30  }
0x38: {  	s0 =	sor.u32 s3, s0;
	s1 =	sshll.u32 s1, $0x11  }
0x39: {  	s0 =	sor.u32 s1, s0  }
0x3a: {  	s0 =	sadd.s32 $0x8F2B, s0  }
0x3b: {  	[sflag:s0] =	ssyncadd.remote.s32 $0x1  }
0x3c: {  	_ =	sfence.sel $0xFFFF  }
0x3d: {  	[dreg:$0x0] =	wrdreg $0xFFFFFFFF;
	(pc) =	sbr.abs _section_cstart, $3  }
0x3e: {  	[dreg:$0x1] =	wrdreg $0xFFFFFFFF  }
0x3f: {  	_ =	task.clear_ibuf [dreg:s7], $0x2FFFF;
	_ =	strace $0x9FFFFFFF  }
0x40: {  	(tm) =	ssettm $0x7FFFFFFF  }
0x41: {  	_ =	shalt  }
tec
execute0_lowered:
.L_overlay_start_1:
0x0: {  	(tag) =	ssettag $0x1  }
0x1: {  	s0 =	stileid.u32  }
0x2: {  	s1 =	srdreg.scid;
	s7 =	rddreg [dreg:$0x0];
	s6 =	simm.s32 $0x1  }
0x3: {  	s2 =	sshll.u32 s0, $0x1;
	s3 =	sshll.u32 s0, $0x4;
	s4 =	sshll.u32 s1, $0x8  }
0x4: {  	s8 =	simm.s32 $0x1;
	s1 =	sand.u32 $0xE, s2;
	s27 =	sor.u32 s3, s4  }
0x5: {  	s31 =	simm.s32 $0x2;
	s2 =	sand.u32 $0x180, s27;
	s28 =	ssub.s32 $0x10, s1  }
0x6: {  	s16 =	simm.s32 $0x0;
	s29 =	sand.u32 $0xE, s28;
	s5 =	ssub.s32 $0x800, s2  }
0x7: {  	s10 =	simm.s32 $0x4000;
	p0 =	sne.s32 s29, $0x0;
	s30 =	sand.u32 $0x180, s5  }
0x8: {  	s17 =	simm.s32 $0x0;
	s6 =	simm.s32 @!p0 $0x0;
	p0 =	sne.s32 s30, $0x0  }
0x9: {  	s3 =	sshrl.u32 s28, $0x4;
	s5 =	sshrl.u32 s5, $0x9;
	s8 =	simm.s32 @!p0 $0x0  }
0xa: {  	s19 =	simm.s32 $0x0;
	s6 =	sadd.s32 s6, s3;
	s5 =	sadd.s32 s8, s5  }
0xb: {  	s18 =	simm.s32 $0x0;
	s12 =	simm.s32 $0x0;
	s6 =	smul.u32 s5, s6  }
.Ltmp0:
0xc: {  	s13 =	simm.s32 $0x0;
	s4 =	rddreg [dreg:$0x1];
	(pc) =	sbr.rel .LBB1_1-.Ltmp0, $4  }
0xd: {  	s15 =	simm.s32 $0x0;
	s7 =	sadd.s32 $0x222600, s7;
	s3 =	rddreg [dreg:$0x2]  }
0xe: {  	_ =	strace $0x80000047;
	s5 =	simm.s32 $0x1;
	s6 =	smul.u32 $0x5, s6  }
0xf: {  	s14 =	smov.u32 s1;
	s11 =	smov.u32 s2;
	[sflag:s5] =	ssyncpa.u1 $0x0  }
0x10: {  	s8 =	sadd.s32 $0x14000, s4;
	[sflag:s31] =	ssyncpa.u1 $0x0;
	s9 =	sadd.s32 $0x1, s6  }
.LBB1_9:
0x11: {  	s20 =	sadd.s32 $0x200, s11  }
0x12: {  	s16 =	sadd.s32 $0x2, s12;
	s21 =	smov.u32 s12;
	p1 =	sgt.s32 s20, $0x7FF  }
0x13: {  	s21 =	smov.u32 @p1 s16  }
0x14: {  	s22 =	smov.u32 s13;
	s16 =	sadd.s32 $0x20, s13;
	p2 =	sgt.s32 s21, $0x9  }
0x15: {  	s22 =	smov.u32 @p2 s16  }
0x16: {  	s23 =	smov.u32 s14;
	s16 =	sadd.s32 $0x10, s14;
	p3 =	sgt.s32 s22, $0x1F  }
0x17: {  	s23 =	smov.u32 @p3 s16  }
0x18: {  	p0 =	slt.u32 s15, $0x2;
	s20 =	smov.u32 @p1 s2;
	p1 =	sgt.s32 s23, $0xF  }
0x19: {  	s24 =	simm.s32 @!p0 $0x2;
	s23 =	smov.u32 @p1 s1;
	p1 =	sne.s32 s15, s9  }
.Ltmp1:
0x1a: {  	s17 =	smov.u32 s12;
	_ =	swait.ge @!p0 [sflag:s24], $0x4000;
	(pc) =	sbr.rel @!p1 .LBB1_10-.Ltmp1, $4  }
0x1b: {  	s19 =	smov.u32 s13;
	[sflag:s24] =	ssyncset.done @!p0 $0x0;
	s21 =	simm.s32 @p2 $0x0  }
0x1c: {  	s18 =	smov.u32 s14;
	[sflag:s24] =	ssyncadd.s32 @!p0 $0xFFFFC000;
	s12 =	smov.u32 s21  }
0x1d: {  	s22 =	simm.s32 @p3 $0x0;
	s16 =	smov.u32 s11;
	s11 =	smov.u32 s20  }
0x1e: {  	s13 =	smov.u32 s22;
	s15 =	sadd.s32 $0x1, s15;
	s14 =	smov.u32 s23  }
.LBB1_1:
0x1f: {  	p0 =	sge.u32 s15, s6  }
0x20: {  	s31 =	sadd.s32 $0xFFFFFFFF, s15;
	s20 =	sxor.u32 @!p0 $0xFFFFFFFF, s15;
	s21 =	sand.u32 @!p0 $0x78, s11  }
0x21: {  	s22 =	sshll.u32 @!p0 s12, $0x7;
	s23 =	sshll.u32 @!p0 s12, $0xB;
	s24 =	sshll.u32 @!p0 s11, $0x3  }
0x22: {  	s20 =	sshll.u32 @!p0 s20, $0xE;
	s22 =	sand.u32 @!p0 $0x380, s22;
	s23 =	sand.u32 @!p0 $0x4000, s23  }
0x23: {  	s20 =	sand.u32 @!p0 $0x4000, s20;
	s21 =	sor.u32 @!p0 s22, s21;
	s22 =	sand.u32 @!p0 $0x400, s24  }
0x24: {  	s23 =	sadd.s32 @!p0 s23, s24;
	s21 =	sor.u32 @!p0 s22, s21;
	s22 =	sshll.u32 @!p0 s14, $0x11  }
0x25: {  	s24 =	sshll.u32 @!p0 s13, $0xC;
	s23 =	sshrl.u32 @!p0 s23, $0x3;
	s22 =	sadd.s32 @!p0 s7, s22  }
0x26: {  	s23 =	sand.u32 @!p0 $0xF00, s23;
	s22 =	sadd.s32 @!p0 s24, s22;
	s24 =	sand.u32 @!p0 $0x7, s11  }
0x27: {  	s21 =	sshrl.u32 @!p0 s21, $0x3;
	s22 =	sadd.s32 @!p0 s23, s22;
	s23 =	sshll.u32 @!p0 s24, $0x12  }
0x28: {  	s21 =	sadd.s32 @!p0 s21, s22;
	s22 =	sor.u32 @!p0 $0x100, s23;
	s23 =	simm.s32 @!p0 $0x8000  }
0x29: {  	[tilespmem:s20], [sflag:$0x1] =	stream.strided.gather @!p0 [hbm4b:s21+s22], $0x4000, s23, s22, $0x38;
	[tilespmem:$0x10000] =	vst v63  }
0x2a: {  	p0 =	sge.u32 s31, s6  }
.Ltmp2:
0x2b: {  	_ = 	snop;
	(pc) =	sbr.rel @p0 .LBB1_9-.Ltmp2, $1  }
0x2c: {  	_ =	sdelay $0x3  }
0x2d: {  	_ =	swait.ge [sflag:s5], $0x4000;
	s20 =	sshll.u32 s15, $0xE  }
0x2e: {  	s23 =	simm.s32 $0x0;
	[sflag:s5] =	ssyncset.done $0x0;
	s20 =	sand.u32 $0x4000, s20  }
0x2f: {  	p1 =	por $0x1, $0x1;
	[sflag:s5] =	ssyncadd.s32 $0xFFFFC000;
	s21 =	sor.u32 $0x8000, s20  }
.LBB1_3:
0x30: {  	p0 =	por p1, p1  }
0x31: {  	s22 =	sadd.s32 s23, s20;
	s23 =	sadd.s32 s23, s21;
	s24 =	simm.s32 $0x0  }
.LBB1_4:
0x32: {  	s25 =	sshll.u32 s24, $0x8  }
0x33: {  	s25 =	sand.u32 $0x3FFFFF00, s25  }
0x34: {  	s26 =	sshll.u32 s24, $0x7;
	s27 =	sadd.s32 s25, s22  }
0x35: {  	s26 =	sand.u32 $0x3FFFFF80, s26;
	v0 =	vmov s27  }
0x36: {  	s26 =	sadd.s32 s26, s23  }
0x37: {  	p1 =	por $0x1, $0x1;
	s25 =	simm.s32 $0x0;
	v1 =	vmov s26  }
.LBB1_5:
0x38: {  	s26 =	sshll.u32 s25, $0x7  }
0x39: {  	s26 =	sand.u32 $0x3FFFFF80, s26  }
0x3a: {  	v2 =	vld.idx.msk [tilespmem:v0+s26+$0x0 ss:$0x1], $0xffff  }
0x3b: {  	v3 =	vld.idx.msk [tilespmem:v0+s26+$0x10 ss:$0x1], $0xffff  }
0x3c: {  	v4 =	vld.idx.msk [tilespmem:v0+s26+$0x20 ss:$0x1], $0xffff  }
0x3d: {  	s31 =	sshll.u32 s25, $0xC;
	v5 =	vld.idx.msk [tilespmem:v0+s26+$0x30 ss:$0x1], $0xffff  }
0x3e: {  	s25 =	sand.u32 $0x3FFFF000, s31;
	v6 =	vld.idx.msk [tilespmem:v0+s26+$0x40 ss:$0x1], $0xffff  }
0x3f: {  	v63 =	vld.idx.msk [tilespmem:v0+s26+$0x70 ss:$0x1], $0xffff;
	[tilespmem:v1+s25+$0x0 ss:$0x1] =	vst.idx.msk $0xffff, v2  }
0x40: {  	v2 =	vld.idx.msk [tilespmem:v0+s26+$0x50 ss:$0x1], $0xffff;
	[tilespmem:v1+s25+$0x10 ss:$0x1] =	vst.idx.msk $0xffff, v3  }
0x41: {  	p2 =	por p1, p1;
	v3 =	vld.idx.msk [tilespmem:v0+s26+$0x60 ss:$0x1], $0xffff;
	[tilespmem:v1+s25+$0x20 ss:$0x1] =	vst.idx.msk $0xffff, v4  }
.Ltmp3:
0x42: {  	[tilespmem:v1+s25+$0x30 ss:$0x1] =	vst.idx.msk $0xffff, v5;
	(pc) =	sbr.rel @p2 .LBB1_5-.Ltmp3, $4  }
0x43: {  	[tilespmem:v1+s25+$0x40 ss:$0x1] =	vst.idx.msk $0xffff, v6  }
0x44: {  	[tilespmem:v1+s25+$0x70 ss:$0x1] =	vst.idx.msk $0xffff, v63  }
0x45: {  	[tilespmem:v1+s25+$0x50 ss:$0x1] =	vst.idx.msk $0xffff, v2  }
0x46: {  	p1 =	por $0x0, $0x0;
	[tilespmem:v1+s25+$0x60 ss:$0x1] =	vst.idx.msk $0xffff, v3;
	s25 =	simm.s32 $0x1  }
0x47: {  	s24 =	sadd.s32 $0x1, s24  }
0x48: {  	p1 =	sne.s32 s24, $0x20  }
.Ltmp4:
0x49: {  	_ = 	snop;
	(pc) =	sbr.rel @p1 .LBB1_4-.Ltmp4, $1  }
0x4a: {  	_ =	sdelay $0x3  }
.Ltmp5:
0x4b: {  	(pc) =	sbr.rel @p0 .LBB1_3-.Ltmp5, $2  }
0x4c: {  	_ =	sdelay $0x2  }
0x4d: {  	s23 =	simm.s32 $0x2000;
	p1 =	por $0x0, $0x0  }
0x4e: {  	s22 =	sand.u32 $0x78, s16;
	s23 =	sshll.u32 s19, $0xB  }
0x4f: {  	s24 =	sshll.u32 s16, $0x3;
	s27 =	sshll.u32 s19, $0x7;
	s18 =	smul.u32 $0x14000, s18  }
0x50: {  	s17 =	sshll.u32 s17, $0xD;
	s30 =	sand.u32 $0x7, s16;
	s23 =	sand.u32 $0xC000, s23  }
0x51: {  	s19 =	sand.u32 $0x380, s27;
	s16 =	sshll.u32 s30, $0x12;
	s23 =	sadd.s32 s23, s24  }
0x52: {  	s24 =	sand.u32 $0x400, s24;
	s19 =	sor.u32 s19, s22;
	s29 =	sadd.s32 s18, s17  }
0x53: {  	s18 =	sadd.s32 s18, s8;
	s19 =	sor.u32 s24, s19;
	s28 =	sshrl.u32 s23, $0x3  }
0x54: {  	s23 =	sadd.s32 s4, s29;
	s17 =	sadd.s32 s17, s18;
	s22 =	sand.u32 $0x1F00, s28  }
.Ltmp6:
0x55: {  	s19 =	sshrl.u32 s19, $0x3;
	s23 =	sadd.s32 s22, s23;
	(pc) =	sbr.rel .LBB1_9-.Ltmp6, $4  }
0x56: {  	s16 =	sor.u32 $0x400, s16;
	s17 =	sadd.s32 s22, s17;
	s23 =	sadd.s32 s19, s23  }
0x57: {  	[hbm4b:s23+s16] =	stream.strided.scatter [tilespmem:s21], [sflag:$0x2], $0x2000, s10, s16, $0x38;
	[tilespmem:$0x10000] =	vst v63  }
0x58: {  	s31 =	sadd.s32 $0xA000, s20;
	s17 =	sadd.s32 s19, s17  }
0x59: {  	[hbm4b:s17+s16] =	stream.strided.scatter [tilespmem:s31], [sflag:$0x2], $0x2000, s10, s16, $0x38;
	[tilespmem:$0x10000] =	vst v63  }
.LBB1_10:
0x5a: {  	_ =	sfence.sel $0x180000  }
0x5b: {  	s1 =	simm.s32 $0x1;
	[bflag:$0x0] =	sbarrier.arrive $0xFFFF  }
0x5c: {  	s31 =	simm.s32 $0x2;
	[sflag:s1] =	ssyncpa.u1 $0x1  }
0x5d: {  	[sflag:s31] =	ssyncpa.u1 $0x1  }
0x5e: {  	p0 =	sne.s32 s0, $0x0;
	_ =	strace $0x90000047  }
0x5f: {  	s0 =	sadd.s32 @!p0 $0x100000, s3;
	[bflag:$0x2] =	sbarrier.arrive $0xFFFF  }
0x60: {  	[sflag:s0] =	ssyncadd.tile.s32 @!p0 $0x1;
	_ =	shalt  }
.Lfunc_end1:
_tile_overlayer_lowered:
.L_overlay_start_2:
0x61: {  	(tag) =	ssettag $0x2  }
0x62: {  	s0 =	rddreg [dreg:$0x0];
	s2 =	stileid.u32  }
0x63: {  	s1 =	rddreg [dreg:$0x1];
	p0 =	sne.s32 s2, $0x0  }
0x64: {  	s3 =	rddreg [dreg:$0x2];
	[bflag:$0x3] =	sbarrier.arrive $0xFFFF;
	s2 =	simm.s32 @!p0 $0x1C01  }
0x65: {  	[timem:s3], [sflag:s2] =	dma.local @!p0 [hbm:s0], s1  }
0x66: {  	s0 =	simm.s32 @!p0 $0x1  }
0x67: {  	_ =	swait.ge @!p0 [sflag:s0], s1  }
0x68: {  	s1 =	ssub.s32 @!p0 $0x0, s1;
	[sflag:s0] =	ssyncset.done @!p0 $0x0  }
0x69: {  	[sflag:s0] =	ssyncadd.s32 @!p0 s1  }
0x6a: {  	[bflag:$0x3] =	sbarrier.arrive $0xFFFF  }
0x6b: {  	_ =	shalt  }

</sc_bundles>
